<compile_context>
chip_gen: v7x
topology: tpu7x:2x2x1
jax: 0.10.2.dev20260603
libtpu: 0.0.44.dev20260713+nightly
codegen_flags: <defaults>
</compile_context>

<pallas_src>
import functools

import jax
import jax.numpy as jnp
from jax import lax
from jax.experimental import pallas as pl
from jax.experimental.pallas import tpu as pltpu
from jax.experimental.pallas import tpu_sc as plsc

B = 16384
NUM = 13
NCAT = 26
V = 100000
D = 16
H1, H2 = 512, 256
EPS = 1e-5

NC, NS = 2, 16
NW = NC * NS
TOTAL_ROWS = B * NCAT
ROWS_W = TOTAL_ROWS // NW
CH = 128
NCHUNK = ROWS_W // CH
RING = 8
PREF = 4
GROUPS = NCHUNK // RING


def _sc_gather(table, idx):
  mesh = plsc.VectorSubcoreMesh(core_axis_name="c", subcore_axis_name="s")

  @functools.partial(
      pl.kernel,
      out_type=jax.ShapeDtypeStruct((TOTAL_ROWS, D), jnp.float32),
      mesh=mesh,
      scratch_types=(
          [pltpu.VMEM((NCHUNK, CH), jnp.int32)]
          + [pltpu.VMEM((CH, D), jnp.float32) for _ in range(RING)]
          + [pltpu.SemaphoreType.DMA for _ in range(2 * RING)]
      ),
      compiler_params=pltpu.CompilerParams(use_tc_tiling_on_sc=False),
  )
  def gather_kernel(table_hbm, idx_hbm, out_hbm, idx_v, *bufs_and_sems):
    bufs = bufs_and_sems[:RING]
    gsem = bufs_and_sems[RING:2 * RING]
    wsem = bufs_and_sems[2 * RING:]
    wid = lax.axis_index("s") * NC + lax.axis_index("c")
    base = wid * ROWS_W

    pltpu.sync_copy(idx_hbm.at[wid], idx_v)

    def start_gather(j, s):
      pltpu.async_copy(table_hbm.at[idx_v.at[j]], bufs[s], gsem[s])

    def wait_gather(j, s):
      pltpu.make_async_copy(table_hbm.at[idx_v.at[j]], bufs[s], gsem[s]).wait()

    def start_write(j, s):
      pltpu.async_copy(bufs[s], out_hbm.at[pl.ds(base + j * CH, CH)], wsem[s])

    def wait_write(s):
      pltpu.make_async_copy(
          bufs[s], out_hbm.at[pl.ds(base, CH)], wsem[s]).wait()

    for b in range(PREF):
      start_gather(b, b)

    def group(j0, _):
      for b in range(RING):
        j = j0 * RING + b
        wait_gather(j, b)
        start_write(j, b)
        jn = j + PREF
        sn = (b + PREF) % RING

        @pl.when(jn < NCHUNK)
        def _():
          @pl.when(jn >= RING)
          def _():
            wait_write(sn)
          start_gather(jn, sn)
      return 0

    lax.fori_loop(0, GROUPS, group, 0, unroll=False)

    for b in range(RING):
      wait_write(b)

  return gather_kernel(table, idx)


def _mlp1(x_num, e, w1a, w1b, b1, bm):
  nb = B // bm

  def body(xn_ref, e_ref, w1a_ref, w1b_ref, b1_ref, h_ref, s_ref, ss_ref):
    i = pl.program_id(0)
    h = (
        jnp.dot(xn_ref[...], w1a_ref[...], preferred_element_type=jnp.float32)
        + jnp.dot(e_ref[...], w1b_ref[...], preferred_element_type=jnp.float32)
        + b1_ref[...]
    )
    h_ref[...] = h

    @pl.when(i == 0)
    def _():
      s_ref[...] = jnp.zeros_like(s_ref)
      ss_ref[...] = jnp.zeros_like(ss_ref)

    s_ref[...] += jnp.sum(h, axis=0, keepdims=True)
    ss_ref[...] += jnp.sum(h * h, axis=0, keepdims=True)

  return pl.pallas_call(
      body,
      grid=(nb,),
      in_specs=[
          pl.BlockSpec((bm, NUM), lambda i: (i, 0)),
          pl.BlockSpec((bm, NCAT * D), lambda i: (i, 0)),
          pl.BlockSpec((NUM, H1), lambda i: (0, 0)),
          pl.BlockSpec((NCAT * D, H1), lambda i: (0, 0)),
          pl.BlockSpec((1, H1), lambda i: (0, 0)),
      ],
      out_specs=[
          pl.BlockSpec((bm, H1), lambda i: (i, 0)),
          pl.BlockSpec((1, H1), lambda i: (0, 0)),
          pl.BlockSpec((1, H1), lambda i: (0, 0)),
      ],
      out_shape=[
          jax.ShapeDtypeStruct((B, H1), jnp.float32),
          jax.ShapeDtypeStruct((1, H1), jnp.float32),
          jax.ShapeDtypeStruct((1, H1), jnp.float32),
      ],
  )(x_num, e, w1a, w1b, b1)


def _mlp2(h1, s1, ss1, g1, be1, w2, b2, bm):
  nb = B // bm

  def body(h1_ref, s_ref, ss_ref, g_ref, be_ref, w2_ref, b2_ref,
           h_ref, s2_ref, ss2_ref):
    i = pl.program_id(0)
    mean = s_ref[...] * (1.0 / B)
    var = ss_ref[...] * (1.0 / B) - mean * mean
    inv = lax.rsqrt(var + EPS)
    scale = g_ref[...] * inv
    shift = be_ref[...] - mean * scale
    a = jnp.maximum(h1_ref[...] * scale + shift, 0.0)
    h = jnp.dot(a, w2_ref[...], preferred_element_type=jnp.float32) + b2_ref[...]
    h_ref[...] = h

    @pl.when(i == 0)
    def _():
      s2_ref[...] = jnp.zeros_like(s2_ref)
      ss2_ref[...] = jnp.zeros_like(ss2_ref)

    s2_ref[...] += jnp.sum(h, axis=0, keepdims=True)
    ss2_ref[...] += jnp.sum(h * h, axis=0, keepdims=True)

  return pl.pallas_call(
      body,
      grid=(nb,),
      in_specs=[
          pl.BlockSpec((bm, H1), lambda i: (i, 0)),
          pl.BlockSpec((1, H1), lambda i: (0, 0)),
          pl.BlockSpec((1, H1), lambda i: (0, 0)),
          pl.BlockSpec((1, H1), lambda i: (0, 0)),
          pl.BlockSpec((1, H1), lambda i: (0, 0)),
          pl.BlockSpec((H1, H2), lambda i: (0, 0)),
          pl.BlockSpec((1, H2), lambda i: (0, 0)),
      ],
      out_specs=[
          pl.BlockSpec((bm, H2), lambda i: (i, 0)),
          pl.BlockSpec((1, H2), lambda i: (0, 0)),
          pl.BlockSpec((1, H2), lambda i: (0, 0)),
      ],
      out_shape=[
          jax.ShapeDtypeStruct((B, H2), jnp.float32),
          jax.ShapeDtypeStruct((1, H2), jnp.float32),
          jax.ShapeDtypeStruct((1, H2), jnp.float32),
      ],
  )(h1, s1, ss1, g1, be1, w2, b2)


def _mlp3(h2, s2, ss2, g2, be2, w3row, b3, bm):
  nb = B // bm

  def body(h2_ref, s_ref, ss_ref, g_ref, be_ref, w3_ref, b3_ref, out_ref):
    mean = s_ref[...] * (1.0 / B)
    var = ss_ref[...] * (1.0 / B) - mean * mean
    inv = lax.rsqrt(var + EPS)
    scale = g_ref[...] * inv
    shift = be_ref[...] - mean * scale
    a = jnp.maximum(h2_ref[...] * scale + shift, 0.0)
    out_ref[...] = (
        jnp.sum(a * w3_ref[...], axis=1, keepdims=True) + b3_ref[...]
    )

  return pl.pallas_call(
      body,
      grid=(nb,),
      in_specs=[
          pl.BlockSpec((bm, H2), lambda i: (i, 0)),
          pl.BlockSpec((1, H2), lambda i: (0, 0)),
          pl.BlockSpec((1, H2), lambda i: (0, 0)),
          pl.BlockSpec((1, H2), lambda i: (0, 0)),
          pl.BlockSpec((1, H2), lambda i: (0, 0)),
          pl.BlockSpec((1, H2), lambda i: (0, 0)),
          pl.BlockSpec((1, 1), lambda i: (0, 0)),
      ],
      out_specs=pl.BlockSpec((bm, 1), lambda i: (i, 0)),
      out_shape=jax.ShapeDtypeStruct((B, 1), jnp.float32),
  )(h2, s2, ss2, g2, be2, w3row, b3)


def kernel(x, emb, W1, b1, g1, be1, W2, b2, g2, be2, W3, b3):
  x_num = x[:, :NUM]
  cat = x[:, NUM:].astype(jnp.int32)
  flat_idx = (cat + jnp.arange(NCAT, dtype=jnp.int32)[None, :] * V).reshape(
      NW, NCHUNK, CH)
  table = emb.reshape(NCAT * V, D)

  e = _sc_gather(table, flat_idx).reshape(B, NCAT * D)

  w1a = W1[:NUM]
  w1b = W1[NUM:]
  h1, s1, ss1 = _mlp1(x_num, e, w1a, w1b, b1.reshape(1, H1), bm=2048)
  h2, s2, ss2 = _mlp2(h1, s1, ss1, g1.reshape(1, H1), be1.reshape(1, H1),
                      W2, b2.reshape(1, H2), bm=2048)
  out = _mlp3(h2, s2, ss2, g2.reshape(1, H2), be2.reshape(1, H2),
              W3.reshape(1, H2), b3.reshape(1, 1), bm=2048)
  return out

# --- scband reference (transcript-rebuilt; emitter-appended) ---
"""Pipeline reference for scband-cat-emb-mlp-16174846837258 (READ-ONLY COPY).

The authoritative reference and input builder live on the scoring server;
editing this copy changes nothing except your own understanding.
"""

import jax, jax.numpy as jnp
import numpy as np

B = 16384
NUM = 13
NCAT = 26
V = 100000
D = 16
POST = NUM + NCAT * D  # 429
H1, H2, OUT = 512, 256, 1


def setup_inputs(seed: int = 0) -> dict:
    key = jax.random.key(seed)
    ks = jax.random.split(key, 12)
    x_num = jax.random.normal(ks[0], (B, NUM), dtype=jnp.float32)
    x_cat = jax.random.randint(ks[1], (B, NCAT), 0, V).astype(jnp.float32)
    x = jnp.concatenate([x_num, x_cat], axis=1)
    emb = jax.random.normal(ks[2], (NCAT, V, D), dtype=jnp.float32) * 0.05
    W1 = jax.random.normal(ks[3], (POST, H1), dtype=jnp.float32) * (2.0 / POST) ** 0.5
    b1 = jnp.zeros((H1,), dtype=jnp.float32)
    g1 = jnp.ones((H1,), dtype=jnp.float32)
    be1 = jnp.zeros((H1,), dtype=jnp.float32)
    W2 = jax.random.normal(ks[4], (H1, H2), dtype=jnp.float32) * (2.0 / H1) ** 0.5
    b2 = jnp.zeros((H2,), dtype=jnp.float32)
    g2 = jnp.ones((H2,), dtype=jnp.float32)
    be2 = jnp.zeros((H2,), dtype=jnp.float32)
    W3 = jax.random.normal(ks[5], (H2, OUT), dtype=jnp.float32) * (2.0 / H2) ** 0.5
    b3 = jnp.zeros((OUT,), dtype=jnp.float32)
    return {"x": x, "emb": emb, "W1": W1, "b1": b1, "g1": g1, "be1": be1,
            "W2": W2, "b2": b2, "g2": g2, "be2": be2, "W3": W3, "b3": b3}


def _bn(h, g, b):
    m = h.mean(axis=0)
    v = h.var(axis=0)
    return (h - m) / jnp.sqrt(v + 1e-5) * g + b


def reference(x, emb, W1, b1, g1, be1, W2, b2, g2, be2, W3, b3):
    x_num = x[:, :NUM]
    cat = x[:, NUM:].astype(jnp.int32)  # [B, NCAT]
    # per-field embedding lookup: emb[f, cat[:, f]] for every field f
    e = emb[jnp.arange(NCAT)[None, :], cat]  # [B, NCAT, D]
    e = e.reshape(x.shape[0], NCAT * D)
    h = jnp.concatenate([x_num, e], axis=1)  # [B, POST]
    h = jnp.maximum(_bn(h @ W1 + b1, g1, be1), 0.0)
    h = jnp.maximum(_bn(h @ W2 + b2, g2, be2), 0.0)
    return h @ W3 + b3

if __name__ == "__main__":
    import jax
    _d = setup_inputs()
    print(jax.jit(kernel)(*tuple(_d.values())))

</pallas_src>

<mosaic_0001>
#map = affine_map<(d0, d1) -> (0, 0)>
#map1 = affine_map<(d0, d1) -> (0, 0, 0)>
module attributes {stable_mosaic.version = 14 : i64} {
  func.func @gather_kernel(%arg0: i32, %arg1: i32, %arg2: memref<2600000x16xf32, #tpu.memory_space<hbm>>, %arg3: memref<32x104x128xi32, #tpu.memory_space<hbm>>, %arg4: memref<425984x16xf32, #tpu.memory_space<hbm>>, %arg5: memref<104x128xi32, #tpu.memory_space<vmem>>, %arg6: memref<128x16xf32, #tpu.memory_space<vmem>>, %arg7: memref<128x16xf32, #tpu.memory_space<vmem>>, %arg8: memref<128x16xf32, #tpu.memory_space<vmem>>, %arg9: memref<128x16xf32, #tpu.memory_space<vmem>>, %arg10: memref<128x16xf32, #tpu.memory_space<vmem>>, %arg11: memref<128x16xf32, #tpu.memory_space<vmem>>, %arg12: memref<128x16xf32, #tpu.memory_space<vmem>>, %arg13: memref<128x16xf32, #tpu.memory_space<vmem>>, %arg14: memref<!tpu.dma_semaphore, #tpu.memory_space<semaphore_mem>>, %arg15: memref<!tpu.dma_semaphore, #tpu.memory_space<semaphore_mem>>, %arg16: memref<!tpu.dma_semaphore, #tpu.memory_space<semaphore_mem>>, %arg17: memref<!tpu.dma_semaphore, #tpu.memory_space<semaphore_mem>>, %arg18: memref<!tpu.dma_semaphore, #tpu.memory_space<semaphore_mem>>, %arg19: memref<!tpu.dma_semaphore, #tpu.memory_space<semaphore_mem>>, %arg20: memref<!tpu.dma_semaphore, #tpu.memory_space<semaphore_mem>>, %arg21: memref<!tpu.dma_semaphore, #tpu.memory_space<semaphore_mem>>, %arg22: memref<!tpu.dma_semaphore, #tpu.memory_space<semaphore_mem>>, %arg23: memref<!tpu.dma_semaphore, #tpu.memory_space<semaphore_mem>>, %arg24: memref<!tpu.dma_semaphore, #tpu.memory_space<semaphore_mem>>, %arg25: memref<!tpu.dma_semaphore, #tpu.memory_space<semaphore_mem>>, %arg26: memref<!tpu.dma_semaphore, #tpu.memory_space<semaphore_mem>>, %arg27: memref<!tpu.dma_semaphore, #tpu.memory_space<semaphore_mem>>, %arg28: memref<!tpu.dma_semaphore, #tpu.memory_space<semaphore_mem>>, %arg29: memref<!tpu.dma_semaphore, #tpu.memory_space<semaphore_mem>>) attributes {dimension_semantics = [#tpu.dimension_semantics<core_parallel>, #tpu.dimension_semantics<subcore_parallel>], iteration_bounds = array<i64: 2, 16>, scalar_prefetch = 0 : i64, scratch_operands = 25 : i64, tpu.core_type = #tpu.core_type<sc_vector_subcore>, window_params = [{transform_indices = #map}, {transform_indices = #map1}, {transform_indices = #map}]} {
    %mul3A = arith.constant 2 : i32
    %mul3A_0 = arith.muli %arg1, %mul3A : i32
    %add3A = arith.addi %mul3A_0, %arg0 : i32
    %mul3A_1 = arith.constant 13312 : i32
    %mul3A_2 = arith.muli %add3A, %mul3A_1 : i32
    "tpu.region"() ({
      %run_scoped3A = tpu.sem_alloc : memref<!tpu.dma_semaphore, #tpu.memory_space<semaphore_mem>>
      %dma_start3A_67 = arith.constant 0 : i32
      %dma_start3A_68 = arith.constant 0 : i32
      %dma_start3A_69 = tpu.memref_slice %arg3[%add3A, %dma_start3A_67, %dma_start3A_68] : memref<32x104x128xi32, #tpu.memory_space<hbm>> -> memref<1x104x128xi32, #tpu.memory_space<hbm>>
      %dma_start3A_70 = tpu.memref_squeeze %dma_start3A_69 : memref<1x104x128xi32, #tpu.memory_space<hbm>> -> memref<104x128xi32, #tpu.memory_space<hbm>>
      %dma_start3A_71 = arith.constant 0 : i32
      %dma_start3A_72 = arith.constant 0 : i32
      %dma_start3A_73 = tpu.memref_slice %arg3[%add3A, %dma_start3A_71, %dma_start3A_72] : memref<32x104x128xi32, #tpu.memory_space<hbm>> -> memref<1x104x128xi32, #tpu.memory_space<hbm>>
      %dma_start3A_74 = tpu.memref_squeeze %dma_start3A_73 : memref<1x104x128xi32, #tpu.memory_space<hbm>> -> memref<104x128xi32, #tpu.memory_space<hbm>>
      tpu.enqueue_dma source(%dma_start3A_74 : memref<104x128xi32, #tpu.memory_space<hbm>>) target(%arg5 : memref<104x128xi32, #tpu.memory_space<vmem>>) target_semaphore(%run_scoped3A : memref<!tpu.dma_semaphore, #tpu.memory_space<semaphore_mem>>)
      %dma_wait3A_75 = arith.constant 0 : i32
      %dma_wait3A_76 = arith.constant 0 : i32
      %dma_wait3A_77 = tpu.memref_slice %arg3[%add3A, %dma_wait3A_75, %dma_wait3A_76] : memref<32x104x128xi32, #tpu.memory_space<hbm>> -> memref<1x104x128xi32, #tpu.memory_space<hbm>>
      %dma_wait3A_78 = tpu.memref_squeeze %dma_wait3A_77 : memref<1x104x128xi32, #tpu.memory_space<hbm>> -> memref<104x128xi32, #tpu.memory_space<hbm>>
      %dma_wait3A_79 = arith.constant 0 : i32
      %dma_wait3A_80 = arith.constant 0 : i32
      %dma_wait3A_81 = tpu.memref_slice %arg3[%add3A, %dma_wait3A_79, %dma_wait3A_80] : memref<32x104x128xi32, #tpu.memory_space<hbm>> -> memref<1x104x128xi32, #tpu.memory_space<hbm>>
      %dma_wait3A_82 = tpu.memref_squeeze %dma_wait3A_81 : memref<1x104x128xi32, #tpu.memory_space<hbm>> -> memref<104x128xi32, #tpu.memory_space<hbm>>
      tpu.wait_dma2 semaphore(%run_scoped3A : memref<!tpu.dma_semaphore, #tpu.memory_space<semaphore_mem>>) src(%dma_wait3A_82 : memref<104x128xi32, #tpu.memory_space<hbm>>) dst(%arg5 : memref<104x128xi32, #tpu.memory_space<vmem>>)
      tpu.yield
    }) : () -> ()
    %dma_start3A = arith.constant 0 : i32
    %dma_start3A_3 = arith.constant 0 : i32
    %dma_start3A_4 = tpu.memref_slice %arg5[%dma_start3A, %dma_start3A_3] : memref<104x128xi32, #tpu.memory_space<vmem>> -> memref<1x128xi32, #tpu.memory_space<vmem>>
    %dma_start3A_5 = tpu.memref_squeeze %dma_start3A_4 : memref<1x128xi32, #tpu.memory_space<vmem>> -> memref<128xi32, #tpu.memory_space<vmem>>
    %dma_start3A_6 = arith.constant 0 : i32
    %dma_start3A_7 = arith.constant 0 : i32
    %dma_start3A_8 = tpu.memref_slice %arg2[%dma_start3A_6, %dma_start3A_7] : memref<2600000x16xf32, #tpu.memory_space<hbm>> -> memref<2600000x16xf32, #tpu.memory_space<hbm>>
    tpu.enqueue_indirect_dma source(%dma_start3A_8 : memref<2600000x16xf32, #tpu.memory_space<hbm>>) target(%arg6 : memref<128x16xf32, #tpu.memory_space<vmem>>) offsets(%dma_start3A_5 : memref<128xi32, #tpu.memory_space<vmem>>) semaphore(%arg14 : memref<!tpu.dma_semaphore, #tpu.memory_space<semaphore_mem>>)
    %dma_start3A_9 = arith.constant 1 : i32
    %dma_start3A_10 = arith.constant 0 : i32
    %dma_start3A_11 = tpu.memref_slice %arg5[%dma_start3A_9, %dma_start3A_10] : memref<104x128xi32, #tpu.memory_space<vmem>> -> memref<1x128xi32, #tpu.memory_space<vmem>>
    %dma_start3A_12 = tpu.memref_squeeze %dma_start3A_11 : memref<1x128xi32, #tpu.memory_space<vmem>> -> memref<128xi32, #tpu.memory_space<vmem>>
    %dma_start3A_13 = arith.constant 0 : i32
    %dma_start3A_14 = arith.constant 0 : i32
    %dma_start3A_15 = tpu.memref_slice %arg2[%dma_start3A_13, %dma_start3A_14] : memref<2600000x16xf32, #tpu.memory_space<hbm>> -> memref<2600000x16xf32, #tpu.memory_space<hbm>>
    tpu.enqueue_indirect_dma source(%dma_start3A_15 : memref<2600000x16xf32, #tpu.memory_space<hbm>>) target(%arg7 : memref<128x16xf32, #tpu.memory_space<vmem>>) offsets(%dma_start3A_12 : memref<128xi32, #tpu.memory_space<vmem>>) semaphore(%arg15 : memref<!tpu.dma_semaphore, #tpu.memory_space<semaphore_mem>>)
    %dma_start3A_16 = arith.constant 2 : i32
    %dma_start3A_17 = arith.constant 0 : i32
    %dma_start3A_18 = tpu.memref_slice %arg5[%dma_start3A_16, %dma_start3A_17] : memref<104x128xi32, #tpu.memory_space<vmem>> -> memref<1x128xi32, #tpu.memory_space<vmem>>
    %dma_start3A_19 = tpu.memref_squeeze %dma_start3A_18 : memref<1x128xi32, #tpu.memory_space<vmem>> -> memref<128xi32, #tpu.memory_space<vmem>>
    %dma_start3A_20 = arith.constant 0 : i32
    %dma_start3A_21 = arith.constant 0 : i32
    %dma_start3A_22 = tpu.memref_slice %arg2[%dma_start3A_20, %dma_start3A_21] : memref<2600000x16xf32, #tpu.memory_space<hbm>> -> memref<2600000x16xf32, #tpu.memory_space<hbm>>
    tpu.enqueue_indirect_dma source(%dma_start3A_22 : memref<2600000x16xf32, #tpu.memory_space<hbm>>) target(%arg8 : memref<128x16xf32, #tpu.memory_space<vmem>>) offsets(%dma_start3A_19 : memref<128xi32, #tpu.memory_space<vmem>>) semaphore(%arg16 : memref<!tpu.dma_semaphore, #tpu.memory_space<semaphore_mem>>)
    %dma_start3A_23 = arith.constant 3 : i32
    %dma_start3A_24 = arith.constant 0 : i32
    %dma_start3A_25 = tpu.memref_slice %arg5[%dma_start3A_23, %dma_start3A_24] : memref<104x128xi32, #tpu.memory_space<vmem>> -> memref<1x128xi32, #tpu.memory_space<vmem>>
    %dma_start3A_26 = tpu.memref_squeeze %dma_start3A_25 : memref<1x128xi32, #tpu.memory_space<vmem>> -> memref<128xi32, #tpu.memory_space<vmem>>
    %dma_start3A_27 = arith.constant 0 : i32
    %dma_start3A_28 = arith.constant 0 : i32
    %dma_start3A_29 = tpu.memref_slice %arg2[%dma_start3A_27, %dma_start3A_28] : memref<2600000x16xf32, #tpu.memory_space<hbm>> -> memref<2600000x16xf32, #tpu.memory_space<hbm>>
    tpu.enqueue_indirect_dma source(%dma_start3A_29 : memref<2600000x16xf32, #tpu.memory_space<hbm>>) target(%arg9 : memref<128x16xf32, #tpu.memory_space<vmem>>) offsets(%dma_start3A_26 : memref<128xi32, #tpu.memory_space<vmem>>) semaphore(%arg17 : memref<!tpu.dma_semaphore, #tpu.memory_space<semaphore_mem>>)
    %scan3A = arith.constant 0 : i32
    %scan3A_30 = arith.constant 0 : i32
    %scan3A_31 = arith.constant 13 : i32
    %scan3A_32 = arith.addi %scan3A_30, %scan3A_31 : i32
    %scan3A_33 = arith.constant 1 : i32
    %scan3A_34 = scf.for %scan3A_67 = %scan3A_30 to %scan3A_32 step %scan3A_33 iter_args(%scan3A_68 = %scan3A) -> (i32)  : i32 {
      %mul3A_69 = arith.constant 8 : i32
      %mul3A_70 = arith.muli %scan3A_67, %mul3A_69 : i32
      %add3A_71 = arith.constant 0 : i32
      %add3A_72 = arith.addi %mul3A_70, %add3A_71 : i32
      %dma_wait3A_73 = arith.constant 0 : i32
      %dma_wait3A_74 = tpu.memref_slice %arg5[%add3A_72, %dma_wait3A_73] : memref<104x128xi32, #tpu.memory_space<vmem>> -> memref<1x128xi32, #tpu.memory_space<vmem>>
      %dma_wait3A_75 = tpu.memref_squeeze %dma_wait3A_74 : memref<1x128xi32, #tpu.memory_space<vmem>> -> memref<128xi32, #tpu.memory_space<vmem>>
      %dma_wait3A_76 = arith.constant 0 : i32
      %dma_wait3A_77 = arith.constant 0 : i32
      %dma_wait3A_78 = tpu.memref_slice %arg2[%dma_wait3A_76, %dma_wait3A_77] : memref<2600000x16xf32, #tpu.memory_space<hbm>> -> memref<2600000x16xf32, #tpu.memory_space<hbm>>
      tpu.wait_indirect_dma semaphore(%arg14 : memref<!tpu.dma_semaphore, #tpu.memory_space<semaphore_mem>>) src(%dma_wait3A_78 : memref<2600000x16xf32, #tpu.memory_space<hbm>>) dst(%arg6 : memref<128x16xf32, #tpu.memory_space<vmem>>)
      %mul3A_79 = arith.constant 128 : i32
      %mul3A_80 = arith.muli %add3A_72, %mul3A_79 : i32
      %add3A_81 = arith.addi %mul3A_2, %mul3A_80 : i32
      %dma_start3A_82 = arith.constant 0 : i32
      %dma_start3A_83 = tpu.memref_slice %arg4[%add3A_81, %dma_start3A_82] : memref<425984x16xf32, #tpu.memory_space<hbm>> -> memref<128x16xf32, #tpu.memory_space<hbm>>
      %dma_start3A_84 = arith.constant 0 : i32
      %dma_start3A_85 = tpu.memref_slice %arg4[%add3A_81, %dma_start3A_84] : memref<425984x16xf32, #tpu.memory_space<hbm>> -> memref<128x16xf32, #tpu.memory_space<hbm>>
      tpu.enqueue_dma source(%arg6 : memref<128x16xf32, #tpu.memory_space<vmem>>) target(%dma_start3A_85 : memref<128x16xf32, #tpu.memory_space<hbm>>) target_semaphore(%arg22 : memref<!tpu.dma_semaphore, #tpu.memory_space<semaphore_mem>>)
      %add3A_86 = arith.constant 4 : i32
      %add3A_87 = arith.addi %add3A_72, %add3A_86 : i32
      %lt3A = arith.constant 104 : i32
      %lt3A_88 = arith.cmpi slt, %add3A_87, %lt3A : i32
      %convert_element_type3A = arith.extui %lt3A_88 : i1 to i32
      %cond3A = arith.constant 0 : i32
      %cond3A_89 = arith.cmpi ne, %convert_element_type3A, %cond3A : i32
      scf.if %cond3A_89 {
        %ge3A = arith.constant 8 : i32
        %ge3A_259 = arith.cmpi sge, %add3A_87, %ge3A : i32
        %convert_element_type3A_260 = arith.extui %ge3A_259 : i1 to i32
        %cond3A_261 = arith.constant 0 : i32
        %cond3A_262 = arith.cmpi ne, %convert_element_type3A_260, %cond3A_261 : i32
        scf.if %cond3A_262 {
          %dma_wait3A_269 = arith.constant 0 : i32
          %dma_wait3A_270 = tpu.memref_slice %arg4[%mul3A_2, %dma_wait3A_269] : memref<425984x16xf32, #tpu.memory_space<hbm>> -> memref<128x16xf32, #tpu.memory_space<hbm>>
          %dma_wait3A_271 = arith.constant 0 : i32
          %dma_wait3A_272 = tpu.memref_slice %arg4[%mul3A_2, %dma_wait3A_271] : memref<425984x16xf32, #tpu.memory_space<hbm>> -> memref<128x16xf32, #tpu.memory_space<hbm>>
          tpu.wait_dma2 semaphore(%arg26 : memref<!tpu.dma_semaphore, #tpu.memory_space<semaphore_mem>>) src(%arg10 : memref<128x16xf32, #tpu.memory_space<vmem>>) dst(%dma_wait3A_272 : memref<128x16xf32, #tpu.memory_space<hbm>>)
        } else {
        }
        %dma_start3A_263 = arith.constant 0 : i32
        %dma_start3A_264 = tpu.memref_slice %arg5[%add3A_87, %dma_start3A_263] : memref<104x128xi32, #tpu.memory_space<vmem>> -> memref<1x128xi32, #tpu.memory_space<vmem>>
        %dma_start3A_265 = tpu.memref_squeeze %dma_start3A_264 : memref<1x128xi32, #tpu.memory_space<vmem>> -> memref<128xi32, #tpu.memory_space<vmem>>
        %dma_start3A_266 = arith.constant 0 : i32
        %dma_start3A_267 = arith.constant 0 : i32
        %dma_start3A_268 = tpu.memref_slice %arg2[%dma_start3A_266, %dma_start3A_267] : memref<2600000x16xf32, #tpu.memory_space<hbm>> -> memref<2600000x16xf32, #tpu.memory_space<hbm>>
        tpu.enqueue_indirect_dma source(%dma_start3A_268 : memref<2600000x16xf32, #tpu.memory_space<hbm>>) target(%arg10 : memref<128x16xf32, #tpu.memory_space<vmem>>) offsets(%dma_start3A_265 : memref<128xi32, #tpu.memory_space<vmem>>) semaphore(%arg18 : memref<!tpu.dma_semaphore, #tpu.memory_space<semaphore_mem>>)
      } else {
      }
      %mul3A_90 = arith.constant 8 : i32
      %mul3A_91 = arith.muli %scan3A_67, %mul3A_90 : i32
      %add3A_92 = arith.constant 1 : i32
      %add3A_93 = arith.addi %mul3A_91, %add3A_92 : i32
      %dma_wait3A_94 = arith.constant 0 : i32
      %dma_wait3A_95 = tpu.memref_slice %arg5[%add3A_93, %dma_wait3A_94] : memref<104x128xi32, #tpu.memory_space<vmem>> -> memref<1x128xi32, #tpu.memory_space<vmem>>
      %dma_wait3A_96 = tpu.memref_squeeze %dma_wait3A_95 : memref<1x128xi32, #tpu.memory_space<vmem>> -> memref<128xi32, #tpu.memory_space<vmem>>
      %dma_wait3A_97 = arith.constant 0 : i32
      %dma_wait3A_98 = arith.constant 0 : i32
      %dma_wait3A_99 = tpu.memref_slice %arg2[%dma_wait3A_97, %dma_wait3A_98] : memref<2600000x16xf32, #tpu.memory_space<hbm>> -> memref<2600000x16xf32, #tpu.memory_space<hbm>>
      tpu.wait_indirect_dma semaphore(%arg15 : memref<!tpu.dma_semaphore, #tpu.memory_space<semaphore_mem>>) src(%dma_wait3A_99 : memref<2600000x16xf32, #tpu.memory_space<hbm>>) dst(%arg7 : memref<128x16xf32, #tpu.memory_space<vmem>>)
      %mul3A_100 = arith.constant 128 : i32
      %mul3A_101 = arith.muli %add3A_93, %mul3A_100 : i32
      %add3A_102 = arith.addi %mul3A_2, %mul3A_101 : i32
      %dma_start3A_103 = arith.constant 0 : i32
      %dma_start3A_104 = tpu.memref_slice %arg4[%add3A_102, %dma_start3A_103] : memref<425984x16xf32, #tpu.memory_space<hbm>> -> memref<128x16xf32, #tpu.memory_space<hbm>>
      %dma_start3A_105 = arith.constant 0 : i32
      %dma_start3A_106 = tpu.memref_slice %arg4[%add3A_102, %dma_start3A_105] : memref<425984x16xf32, #tpu.memory_space<hbm>> -> memref<128x16xf32, #tpu.memory_space<hbm>>
      tpu.enqueue_dma source(%arg7 : memref<128x16xf32, #tpu.memory_space<vmem>>) target(%dma_start3A_106 : memref<128x16xf32, #tpu.memory_space<hbm>>) target_semaphore(%arg23 : memref<!tpu.dma_semaphore, #tpu.memory_space<semaphore_mem>>)
      %add3A_107 = arith.constant 4 : i32
      %add3A_108 = arith.addi %add3A_93, %add3A_107 : i32
      %lt3A_109 = arith.constant 104 : i32
      %lt3A_110 = arith.cmpi slt, %add3A_108, %lt3A_109 : i32
      %convert_element_type3A_111 = arith.extui %lt3A_110 : i1 to i32
      %cond3A_112 = arith.constant 0 : i32
      %cond3A_113 = arith.cmpi ne, %convert_element_type3A_111, %cond3A_112 : i32
      scf.if %cond3A_113 {
        %ge3A = arith.constant 8 : i32
        %ge3A_259 = arith.cmpi sge, %add3A_108, %ge3A : i32
        %convert_element_type3A_260 = arith.extui %ge3A_259 : i1 to i32
        %cond3A_261 = arith.constant 0 : i32
        %cond3A_262 = arith.cmpi ne, %convert_element_type3A_260, %cond3A_261 : i32
        scf.if %cond3A_262 {
          %dma_wait3A_269 = arith.constant 0 : i32
          %dma_wait3A_270 = tpu.memref_slice %arg4[%mul3A_2, %dma_wait3A_269] : memref<425984x16xf32, #tpu.memory_space<hbm>> -> memref<128x16xf32, #tpu.memory_space<hbm>>
          %dma_wait3A_271 = arith.constant 0 : i32
          %dma_wait3A_272 = tpu.memref_slice %arg4[%mul3A_2, %dma_wait3A_271] : memref<425984x16xf32, #tpu.memory_space<hbm>> -> memref<128x16xf32, #tpu.memory_space<hbm>>
          tpu.wait_dma2 semaphore(%arg27 : memref<!tpu.dma_semaphore, #tpu.memory_space<semaphore_mem>>) src(%arg11 : memref<128x16xf32, #tpu.memory_space<vmem>>) dst(%dma_wait3A_272 : memref<128x16xf32, #tpu.memory_space<hbm>>)
        } else {
        }
        %dma_start3A_263 = arith.constant 0 : i32
        %dma_start3A_264 = tpu.memref_slice %arg5[%add3A_108, %dma_start3A_263] : memref<104x128xi32, #tpu.memory_space<vmem>> -> memref<1x128xi32, #tpu.memory_space<vmem>>
        %dma_start3A_265 = tpu.memref_squeeze %dma_start3A_264 : memref<1x128xi32, #tpu.memory_space<vmem>> -> memref<128xi32, #tpu.memory_space<vmem>>
        %dma_start3A_266 = arith.constant 0 : i32
        %dma_start3A_267 = arith.constant 0 : i32
        %dma_start3A_268 = tpu.memref_slice %arg2[%dma_start3A_266, %dma_start3A_267] : memref<2600000x16xf32, #tpu.memory_space<hbm>> -> memref<2600000x16xf32, #tpu.memory_space<hbm>>
        tpu.enqueue_indirect_dma source(%dma_start3A_268 : memref<2600000x16xf32, #tpu.memory_space<hbm>>) target(%arg11 : memref<128x16xf32, #tpu.memory_space<vmem>>) offsets(%dma_start3A_265 : memref<128xi32, #tpu.memory_space<vmem>>) semaphore(%arg19 : memref<!tpu.dma_semaphore, #tpu.memory_space<semaphore_mem>>)
      } else {
      }
      %mul3A_114 = arith.constant 8 : i32
      %mul3A_115 = arith.muli %scan3A_67, %mul3A_114 : i32
      %add3A_116 = arith.constant 2 : i32
      %add3A_117 = arith.addi %mul3A_115, %add3A_116 : i32
      %dma_wait3A_118 = arith.constant 0 : i32
      %dma_wait3A_119 = tpu.memref_slice %arg5[%add3A_117, %dma_wait3A_118] : memref<104x128xi32, #tpu.memory_space<vmem>> -> memref<1x128xi32, #tpu.memory_space<vmem>>
      %dma_wait3A_120 = tpu.memref_squeeze %dma_wait3A_119 : memref<1x128xi32, #tpu.memory_space<vmem>> -> memref<128xi32, #tpu.memory_space<vmem>>
      %dma_wait3A_121 = arith.constant 0 : i32
      %dma_wait3A_122 = arith.constant 0 : i32
      %dma_wait3A_123 = tpu.memref_slice %arg2[%dma_wait3A_121, %dma_wait3A_122] : memref<2600000x16xf32, #tpu.memory_space<hbm>> -> memref<2600000x16xf32, #tpu.memory_space<hbm>>
      tpu.wait_indirect_dma semaphore(%arg16 : memref<!tpu.dma_semaphore, #tpu.memory_space<semaphore_mem>>) src(%dma_wait3A_123 : memref<2600000x16xf32, #tpu.memory_space<hbm>>) dst(%arg8 : memref<128x16xf32, #tpu.memory_space<vmem>>)
      %mul3A_124 = arith.constant 128 : i32
      %mul3A_125 = arith.muli %add3A_117, %mul3A_124 : i32
      %add3A_126 = arith.addi %mul3A_2, %mul3A_125 : i32
      %dma_start3A_127 = arith.constant 0 : i32
      %dma_start3A_128 = tpu.memref_slice %arg4[%add3A_126, %dma_start3A_127] : memref<425984x16xf32, #tpu.memory_space<hbm>> -> memref<128x16xf32, #tpu.memory_space<hbm>>
      %dma_start3A_129 = arith.constant 0 : i32
      %dma_start3A_130 = tpu.memref_slice %arg4[%add3A_126, %dma_start3A_129] : memref<425984x16xf32, #tpu.memory_space<hbm>> -> memref<128x16xf32, #tpu.memory_space<hbm>>
      tpu.enqueue_dma source(%arg8 : memref<128x16xf32, #tpu.memory_space<vmem>>) target(%dma_start3A_130 : memref<128x16xf32, #tpu.memory_space<hbm>>) target_semaphore(%arg24 : memref<!tpu.dma_semaphore, #tpu.memory_space<semaphore_mem>>)
      %add3A_131 = arith.constant 4 : i32
      %add3A_132 = arith.addi %add3A_117, %add3A_131 : i32
      %lt3A_133 = arith.constant 104 : i32
      %lt3A_134 = arith.cmpi slt, %add3A_132, %lt3A_133 : i32
      %convert_element_type3A_135 = arith.extui %lt3A_134 : i1 to i32
      %cond3A_136 = arith.constant 0 : i32
      %cond3A_137 = arith.cmpi ne, %convert_element_type3A_135, %cond3A_136 : i32
      scf.if %cond3A_137 {
        %ge3A = arith.constant 8 : i32
        %ge3A_259 = arith.cmpi sge, %add3A_132, %ge3A : i32
        %convert_element_type3A_260 = arith.extui %ge3A_259 : i1 to i32
        %cond3A_261 = arith.constant 0 : i32
        %cond3A_262 = arith.cmpi ne, %convert_element_type3A_260, %cond3A_261 : i32
        scf.if %cond3A_262 {
          %dma_wait3A_269 = arith.constant 0 : i32
          %dma_wait3A_270 = tpu.memref_slice %arg4[%mul3A_2, %dma_wait3A_269] : memref<425984x16xf32, #tpu.memory_space<hbm>> -> memref<128x16xf32, #tpu.memory_space<hbm>>
          %dma_wait3A_271 = arith.constant 0 : i32
          %dma_wait3A_272 = tpu.memref_slice %arg4[%mul3A_2, %dma_wait3A_271] : memref<425984x16xf32, #tpu.memory_space<hbm>> -> memref<128x16xf32, #tpu.memory_space<hbm>>
          tpu.wait_dma2 semaphore(%arg28 : memref<!tpu.dma_semaphore, #tpu.memory_space<semaphore_mem>>) src(%arg12 : memref<128x16xf32, #tpu.memory_space<vmem>>) dst(%dma_wait3A_272 : memref<128x16xf32, #tpu.memory_space<hbm>>)
        } else {
        }
        %dma_start3A_263 = arith.constant 0 : i32
        %dma_start3A_264 = tpu.memref_slice %arg5[%add3A_132, %dma_start3A_263] : memref<104x128xi32, #tpu.memory_space<vmem>> -> memref<1x128xi32, #tpu.memory_space<vmem>>
        %dma_start3A_265 = tpu.memref_squeeze %dma_start3A_264 : memref<1x128xi32, #tpu.memory_space<vmem>> -> memref<128xi32, #tpu.memory_space<vmem>>
        %dma_start3A_266 = arith.constant 0 : i32
        %dma_start3A_267 = arith.constant 0 : i32
        %dma_start3A_268 = tpu.memref_slice %arg2[%dma_start3A_266, %dma_start3A_267] : memref<2600000x16xf32, #tpu.memory_space<hbm>> -> memref<2600000x16xf32, #tpu.memory_space<hbm>>
        tpu.enqueue_indirect_dma source(%dma_start3A_268 : memref<2600000x16xf32, #tpu.memory_space<hbm>>) target(%arg12 : memref<128x16xf32, #tpu.memory_space<vmem>>) offsets(%dma_start3A_265 : memref<128xi32, #tpu.memory_space<vmem>>) semaphore(%arg20 : memref<!tpu.dma_semaphore, #tpu.memory_space<semaphore_mem>>)
      } else {
      }
      %mul3A_138 = arith.constant 8 : i32
      %mul3A_139 = arith.muli %scan3A_67, %mul3A_138 : i32
      %add3A_140 = arith.constant 3 : i32
      %add3A_141 = arith.addi %mul3A_139, %add3A_140 : i32
      %dma_wait3A_142 = arith.constant 0 : i32
      %dma_wait3A_143 = tpu.memref_slice %arg5[%add3A_141, %dma_wait3A_142] : memref<104x128xi32, #tpu.memory_space<vmem>> -> memref<1x128xi32, #tpu.memory_space<vmem>>
      %dma_wait3A_144 = tpu.memref_squeeze %dma_wait3A_143 : memref<1x128xi32, #tpu.memory_space<vmem>> -> memref<128xi32, #tpu.memory_space<vmem>>
      %dma_wait3A_145 = arith.constant 0 : i32
      %dma_wait3A_146 = arith.constant 0 : i32
      %dma_wait3A_147 = tpu.memref_slice %arg2[%dma_wait3A_145, %dma_wait3A_146] : memref<2600000x16xf32, #tpu.memory_space<hbm>> -> memref<2600000x16xf32, #tpu.memory_space<hbm>>
      tpu.wait_indirect_dma semaphore(%arg17 : memref<!tpu.dma_semaphore, #tpu.memory_space<semaphore_mem>>) src(%dma_wait3A_147 : memref<2600000x16xf32, #tpu.memory_space<hbm>>) dst(%arg9 : memref<128x16xf32, #tpu.memory_space<vmem>>)
      %mul3A_148 = arith.constant 128 : i32
      %mul3A_149 = arith.muli %add3A_141, %mul3A_148 : i32
      %add3A_150 = arith.addi %mul3A_2, %mul3A_149 : i32
      %dma_start3A_151 = arith.constant 0 : i32
      %dma_start3A_152 = tpu.memref_slice %arg4[%add3A_150, %dma_start3A_151] : memref<425984x16xf32, #tpu.memory_space<hbm>> -> memref<128x16xf32, #tpu.memory_space<hbm>>
      %dma_start3A_153 = arith.constant 0 : i32
      %dma_start3A_154 = tpu.memref_slice %arg4[%add3A_150, %dma_start3A_153] : memref<425984x16xf32, #tpu.memory_space<hbm>> -> memref<128x16xf32, #tpu.memory_space<hbm>>
      tpu.enqueue_dma source(%arg9 : memref<128x16xf32, #tpu.memory_space<vmem>>) target(%dma_start3A_154 : memref<128x16xf32, #tpu.memory_space<hbm>>) target_semaphore(%arg25 : memref<!tpu.dma_semaphore, #tpu.memory_space<semaphore_mem>>)
      %add3A_155 = arith.constant 4 : i32
      %add3A_156 = arith.addi %add3A_141, %add3A_155 : i32
      %lt3A_157 = arith.constant 104 : i32
      %lt3A_158 = arith.cmpi slt, %add3A_156, %lt3A_157 : i32
      %convert_element_type3A_159 = arith.extui %lt3A_158 : i1 to i32
      %cond3A_160 = arith.constant 0 : i32
      %cond3A_161 = arith.cmpi ne, %convert_element_type3A_159, %cond3A_160 : i32
      scf.if %cond3A_161 {
        %ge3A = arith.constant 8 : i32
        %ge3A_259 = arith.cmpi sge, %add3A_156, %ge3A : i32
        %convert_element_type3A_260 = arith.extui %ge3A_259 : i1 to i32
        %cond3A_261 = arith.constant 0 : i32
        %cond3A_262 = arith.cmpi ne, %convert_element_type3A_260, %cond3A_261 : i32
        scf.if %cond3A_262 {
          %dma_wait3A_269 = arith.constant 0 : i32
          %dma_wait3A_270 = tpu.memref_slice %arg4[%mul3A_2, %dma_wait3A_269] : memref<425984x16xf32, #tpu.memory_space<hbm>> -> memref<128x16xf32, #tpu.memory_space<hbm>>
          %dma_wait3A_271 = arith.constant 0 : i32
          %dma_wait3A_272 = tpu.memref_slice %arg4[%mul3A_2, %dma_wait3A_271] : memref<425984x16xf32, #tpu.memory_space<hbm>> -> memref<128x16xf32, #tpu.memory_space<hbm>>
          tpu.wait_dma2 semaphore(%arg29 : memref<!tpu.dma_semaphore, #tpu.memory_space<semaphore_mem>>) src(%arg13 : memref<128x16xf32, #tpu.memory_space<vmem>>) dst(%dma_wait3A_272 : memref<128x16xf32, #tpu.memory_space<hbm>>)
        } else {
        }
        %dma_start3A_263 = arith.constant 0 : i32
        %dma_start3A_264 = tpu.memref_slice %arg5[%add3A_156, %dma_start3A_263] : memref<104x128xi32, #tpu.memory_space<vmem>> -> memref<1x128xi32, #tpu.memory_space<vmem>>
        %dma_start3A_265 = tpu.memref_squeeze %dma_start3A_264 : memref<1x128xi32, #tpu.memory_space<vmem>> -> memref<128xi32, #tpu.memory_space<vmem>>
        %dma_start3A_266 = arith.constant 0 : i32
        %dma_start3A_267 = arith.constant 0 : i32
        %dma_start3A_268 = tpu.memref_slice %arg2[%dma_start3A_266, %dma_start3A_267] : memref<2600000x16xf32, #tpu.memory_space<hbm>> -> memref<2600000x16xf32, #tpu.memory_space<hbm>>
        tpu.enqueue_indirect_dma source(%dma_start3A_268 : memref<2600000x16xf32, #tpu.memory_space<hbm>>) target(%arg13 : memref<128x16xf32, #tpu.memory_space<vmem>>) offsets(%dma_start3A_265 : memref<128xi32, #tpu.memory_space<vmem>>) semaphore(%arg21 : memref<!tpu.dma_semaphore, #tpu.memory_space<semaphore_mem>>)
      } else {
      }
      %mul3A_162 = arith.constant 8 : i32
      %mul3A_163 = arith.muli %scan3A_67, %mul3A_162 : i32
      %add3A_164 = arith.constant 4 : i32
      %add3A_165 = arith.addi %mul3A_163, %add3A_164 : i32
      %dma_wait3A_166 = arith.constant 0 : i32
      %dma_wait3A_167 = tpu.memref_slice %arg5[%add3A_165, %dma_wait3A_166] : memref<104x128xi32, #tpu.memory_space<vmem>> -> memref<1x128xi32, #tpu.memory_space<vmem>>
      %dma_wait3A_168 = tpu.memref_squeeze %dma_wait3A_167 : memref<1x128xi32, #tpu.memory_space<vmem>> -> memref<128xi32, #tpu.memory_space<vmem>>
      %dma_wait3A_169 = arith.constant 0 : i32
      %dma_wait3A_170 = arith.constant 0 : i32
      %dma_wait3A_171 = tpu.memref_slice %arg2[%dma_wait3A_169, %dma_wait3A_170] : memref<2600000x16xf32, #tpu.memory_space<hbm>> -> memref<2600000x16xf32, #tpu.memory_space<hbm>>
      tpu.wait_indirect_dma semaphore(%arg18 : memref<!tpu.dma_semaphore, #tpu.memory_space<semaphore_mem>>) src(%dma_wait3A_171 : memref<2600000x16xf32, #tpu.memory_space<hbm>>) dst(%arg10 : memref<128x16xf32, #tpu.memory_space<vmem>>)
      %mul3A_172 = arith.constant 128 : i32
      %mul3A_173 = arith.muli %add3A_165, %mul3A_172 : i32
      %add3A_174 = arith.addi %mul3A_2, %mul3A_173 : i32
      %dma_start3A_175 = arith.constant 0 : i32
      %dma_start3A_176 = tpu.memref_slice %arg4[%add3A_174, %dma_start3A_175] : memref<425984x16xf32, #tpu.memory_space<hbm>> -> memref<128x16xf32, #tpu.memory_space<hbm>>
      %dma_start3A_177 = arith.constant 0 : i32
      %dma_start3A_178 = tpu.memref_slice %arg4[%add3A_174, %dma_start3A_177] : memref<425984x16xf32, #tpu.memory_space<hbm>> -> memref<128x16xf32, #tpu.memory_space<hbm>>
      tpu.enqueue_dma source(%arg10 : memref<128x16xf32, #tpu.memory_space<vmem>>) target(%dma_start3A_178 : memref<128x16xf32, #tpu.memory_space<hbm>>) target_semaphore(%arg26 : memref<!tpu.dma_semaphore, #tpu.memory_space<semaphore_mem>>)
      %add3A_179 = arith.constant 4 : i32
      %add3A_180 = arith.addi %add3A_165, %add3A_179 : i32
      %lt3A_181 = arith.constant 104 : i32
      %lt3A_182 = arith.cmpi slt, %add3A_180, %lt3A_181 : i32
      %convert_element_type3A_183 = arith.extui %lt3A_182 : i1 to i32
      %cond3A_184 = arith.constant 0 : i32
      %cond3A_185 = arith.cmpi ne, %convert_element_type3A_183, %cond3A_184 : i32
      scf.if %cond3A_185 {
        %ge3A = arith.constant 8 : i32
        %ge3A_259 = arith.cmpi sge, %add3A_180, %ge3A : i32
        %convert_element_type3A_260 = arith.extui %ge3A_259 : i1 to i32
        %cond3A_261 = arith.constant 0 : i32
        %cond3A_262 = arith.cmpi ne, %convert_element_type3A_260, %cond3A_261 : i32
        scf.if %cond3A_262 {
          %dma_wait3A_269 = arith.constant 0 : i32
          %dma_wait3A_270 = tpu.memref_slice %arg4[%mul3A_2, %dma_wait3A_269] : memref<425984x16xf32, #tpu.memory_space<hbm>> -> memref<128x16xf32, #tpu.memory_space<hbm>>
          %dma_wait3A_271 = arith.constant 0 : i32
          %dma_wait3A_272 = tpu.memref_slice %arg4[%mul3A_2, %dma_wait3A_271] : memref<425984x16xf32, #tpu.memory_space<hbm>> -> memref<128x16xf32, #tpu.memory_space<hbm>>
          tpu.wait_dma2 semaphore(%arg22 : memref<!tpu.dma_semaphore, #tpu.memory_space<semaphore_mem>>) src(%arg6 : memref<128x16xf32, #tpu.memory_space<vmem>>) dst(%dma_wait3A_272 : memref<128x16xf32, #tpu.memory_space<hbm>>)
        } else {
        }
        %dma_start3A_263 = arith.constant 0 : i32
        %dma_start3A_264 = tpu.memref_slice %arg5[%add3A_180, %dma_start3A_263] : memref<104x128xi32, #tpu.memory_space<vmem>> -> memref<1x128xi32, #tpu.memory_space<vmem>>
        %dma_start3A_265 = tpu.memref_squeeze %dma_start3A_264 : memref<1x128xi32, #tpu.memory_space<vmem>> -> memref<128xi32, #tpu.memory_space<vmem>>
        %dma_start3A_266 = arith.constant 0 : i32
        %dma_start3A_267 = arith.constant 0 : i32
        %dma_start3A_268 = tpu.memref_slice %arg2[%dma_start3A_266, %dma_start3A_267] : memref<2600000x16xf32, #tpu.memory_space<hbm>> -> memref<2600000x16xf32, #tpu.memory_space<hbm>>
        tpu.enqueue_indirect_dma source(%dma_start3A_268 : memref<2600000x16xf32, #tpu.memory_space<hbm>>) target(%arg6 : memref<128x16xf32, #tpu.memory_space<vmem>>) offsets(%dma_start3A_265 : memref<128xi32, #tpu.memory_space<vmem>>) semaphore(%arg14 : memref<!tpu.dma_semaphore, #tpu.memory_space<semaphore_mem>>)
      } else {
      }
      %mul3A_186 = arith.constant 8 : i32
      %mul3A_187 = arith.muli %scan3A_67, %mul3A_186 : i32
      %add3A_188 = arith.constant 5 : i32
      %add3A_189 = arith.addi %mul3A_187, %add3A_188 : i32
      %dma_wait3A_190 = arith.constant 0 : i32
      %dma_wait3A_191 = tpu.memref_slice %arg5[%add3A_189, %dma_wait3A_190] : memref<104x128xi32, #tpu.memory_space<vmem>> -> memref<1x128xi32, #tpu.memory_space<vmem>>
      %dma_wait3A_192 = tpu.memref_squeeze %dma_wait3A_191 : memref<1x128xi32, #tpu.memory_space<vmem>> -> memref<128xi32, #tpu.memory_space<vmem>>
      %dma_wait3A_193 = arith.constant 0 : i32
      %dma_wait3A_194 = arith.constant 0 : i32
      %dma_wait3A_195 = tpu.memref_slice %arg2[%dma_wait3A_193, %dma_wait3A_194] : memref<2600000x16xf32, #tpu.memory_space<hbm>> -> memref<2600000x16xf32, #tpu.memory_space<hbm>>
      tpu.wait_indirect_dma semaphore(%arg19 : memref<!tpu.dma_semaphore, #tpu.memory_space<semaphore_mem>>) src(%dma_wait3A_195 : memref<2600000x16xf32, #tpu.memory_space<hbm>>) dst(%arg11 : memref<128x16xf32, #tpu.memory_space<vmem>>)
      %mul3A_196 = arith.constant 128 : i32
      %mul3A_197 = arith.muli %add3A_189, %mul3A_196 : i32
      %add3A_198 = arith.addi %mul3A_2, %mul3A_197 : i32
      %dma_start3A_199 = arith.constant 0 : i32
      %dma_start3A_200 = tpu.memref_slice %arg4[%add3A_198, %dma_start3A_199] : memref<425984x16xf32, #tpu.memory_space<hbm>> -> memref<128x16xf32, #tpu.memory_space<hbm>>
      %dma_start3A_201 = arith.constant 0 : i32
      %dma_start3A_202 = tpu.memref_slice %arg4[%add3A_198, %dma_start3A_201] : memref<425984x16xf32, #tpu.memory_space<hbm>> -> memref<128x16xf32, #tpu.memory_space<hbm>>
      tpu.enqueue_dma source(%arg11 : memref<128x16xf32, #tpu.memory_space<vmem>>) target(%dma_start3A_202 : memref<128x16xf32, #tpu.memory_space<hbm>>) target_semaphore(%arg27 : memref<!tpu.dma_semaphore, #tpu.memory_space<semaphore_mem>>)
      %add3A_203 = arith.constant 4 : i32
      %add3A_204 = arith.addi %add3A_189, %add3A_203 : i32
      %lt3A_205 = arith.constant 104 : i32
      %lt3A_206 = arith.cmpi slt, %add3A_204, %lt3A_205 : i32
      %convert_element_type3A_207 = arith.extui %lt3A_206 : i1 to i32
      %cond3A_208 = arith.constant 0 : i32
      %cond3A_209 = arith.cmpi ne, %convert_element_type3A_207, %cond3A_208 : i32
      scf.if %cond3A_209 {
        %ge3A = arith.constant 8 : i32
        %ge3A_259 = arith.cmpi sge, %add3A_204, %ge3A : i32
        %convert_element_type3A_260 = arith.extui %ge3A_259 : i1 to i32
        %cond3A_261 = arith.constant 0 : i32
        %cond3A_262 = arith.cmpi ne, %convert_element_type3A_260, %cond3A_261 : i32
        scf.if %cond3A_262 {
          %dma_wait3A_269 = arith.constant 0 : i32
          %dma_wait3A_270 = tpu.memref_slice %arg4[%mul3A_2, %dma_wait3A_269] : memref<425984x16xf32, #tpu.memory_space<hbm>> -> memref<128x16xf32, #tpu.memory_space<hbm>>
          %dma_wait3A_271 = arith.constant 0 : i32
          %dma_wait3A_272 = tpu.memref_slice %arg4[%mul3A_2, %dma_wait3A_271] : memref<425984x16xf32, #tpu.memory_space<hbm>> -> memref<128x16xf32, #tpu.memory_space<hbm>>
          tpu.wait_dma2 semaphore(%arg23 : memref<!tpu.dma_semaphore, #tpu.memory_space<semaphore_mem>>) src(%arg7 : memref<128x16xf32, #tpu.memory_space<vmem>>) dst(%dma_wait3A_272 : memref<128x16xf32, #tpu.memory_space<hbm>>)
        } else {
        }
        %dma_start3A_263 = arith.constant 0 : i32
        %dma_start3A_264 = tpu.memref_slice %arg5[%add3A_204, %dma_start3A_263] : memref<104x128xi32, #tpu.memory_space<vmem>> -> memref<1x128xi32, #tpu.memory_space<vmem>>
        %dma_start3A_265 = tpu.memref_squeeze %dma_start3A_264 : memref<1x128xi32, #tpu.memory_space<vmem>> -> memref<128xi32, #tpu.memory_space<vmem>>
        %dma_start3A_266 = arith.constant 0 : i32
        %dma_start3A_267 = arith.constant 0 : i32
        %dma_start3A_268 = tpu.memref_slice %arg2[%dma_start3A_266, %dma_start3A_267] : memref<2600000x16xf32, #tpu.memory_space<hbm>> -> memref<2600000x16xf32, #tpu.memory_space<hbm>>
        tpu.enqueue_indirect_dma source(%dma_start3A_268 : memref<2600000x16xf32, #tpu.memory_space<hbm>>) target(%arg7 : memref<128x16xf32, #tpu.memory_space<vmem>>) offsets(%dma_start3A_265 : memref<128xi32, #tpu.memory_space<vmem>>) semaphore(%arg15 : memref<!tpu.dma_semaphore, #tpu.memory_space<semaphore_mem>>)
      } else {
      }
      %mul3A_210 = arith.constant 8 : i32
      %mul3A_211 = arith.muli %scan3A_67, %mul3A_210 : i32
      %add3A_212 = arith.constant 6 : i32
      %add3A_213 = arith.addi %mul3A_211, %add3A_212 : i32
      %dma_wait3A_214 = arith.constant 0 : i32
      %dma_wait3A_215 = tpu.memref_slice %arg5[%add3A_213, %dma_wait3A_214] : memref<104x128xi32, #tpu.memory_space<vmem>> -> memref<1x128xi32, #tpu.memory_space<vmem>>
      %dma_wait3A_216 = tpu.memref_squeeze %dma_wait3A_215 : memref<1x128xi32, #tpu.memory_space<vmem>> -> memref<128xi32, #tpu.memory_space<vmem>>
      %dma_wait3A_217 = arith.constant 0 : i32
      %dma_wait3A_218 = arith.constant 0 : i32
      %dma_wait3A_219 = tpu.memref_slice %arg2[%dma_wait3A_217, %dma_wait3A_218] : memref<2600000x16xf32, #tpu.memory_space<hbm>> -> memref<2600000x16xf32, #tpu.memory_space<hbm>>
      tpu.wait_indirect_dma semaphore(%arg20 : memref<!tpu.dma_semaphore, #tpu.memory_space<semaphore_mem>>) src(%dma_wait3A_219 : memref<2600000x16xf32, #tpu.memory_space<hbm>>) dst(%arg12 : memref<128x16xf32, #tpu.memory_space<vmem>>)
      %mul3A_220 = arith.constant 128 : i32
      %mul3A_221 = arith.muli %add3A_213, %mul3A_220 : i32
      %add3A_222 = arith.addi %mul3A_2, %mul3A_221 : i32
      %dma_start3A_223 = arith.constant 0 : i32
      %dma_start3A_224 = tpu.memref_slice %arg4[%add3A_222, %dma_start3A_223] : memref<425984x16xf32, #tpu.memory_space<hbm>> -> memref<128x16xf32, #tpu.memory_space<hbm>>
      %dma_start3A_225 = arith.constant 0 : i32
      %dma_start3A_226 = tpu.memref_slice %arg4[%add3A_222, %dma_start3A_225] : memref<425984x16xf32, #tpu.memory_space<hbm>> -> memref<128x16xf32, #tpu.memory_space<hbm>>
      tpu.enqueue_dma source(%arg12 : memref<128x16xf32, #tpu.memory_space<vmem>>) target(%dma_start3A_226 : memref<128x16xf32, #tpu.memory_space<hbm>>) target_semaphore(%arg28 : memref<!tpu.dma_semaphore, #tpu.memory_space<semaphore_mem>>)
      %add3A_227 = arith.constant 4 : i32
      %add3A_228 = arith.addi %add3A_213, %add3A_227 : i32
      %lt3A_229 = arith.constant 104 : i32
      %lt3A_230 = arith.cmpi slt, %add3A_228, %lt3A_229 : i32
      %convert_element_type3A_231 = arith.extui %lt3A_230 : i1 to i32
      %cond3A_232 = arith.constant 0 : i32
      %cond3A_233 = arith.cmpi ne, %convert_element_type3A_231, %cond3A_232 : i32
      scf.if %cond3A_233 {
        %ge3A = arith.constant 8 : i32
        %ge3A_259 = arith.cmpi sge, %add3A_228, %ge3A : i32
        %convert_element_type3A_260 = arith.extui %ge3A_259 : i1 to i32
        %cond3A_261 = arith.constant 0 : i32
        %cond3A_262 = arith.cmpi ne, %convert_element_type3A_260, %cond3A_261 : i32
        scf.if %cond3A_262 {
          %dma_wait3A_269 = arith.constant 0 : i32
          %dma_wait3A_270 = tpu.memref_slice %arg4[%mul3A_2, %dma_wait3A_269] : memref<425984x16xf32, #tpu.memory_space<hbm>> -> memref<128x16xf32, #tpu.memory_space<hbm>>
          %dma_wait3A_271 = arith.constant 0 : i32
          %dma_wait3A_272 = tpu.memref_slice %arg4[%mul3A_2, %dma_wait3A_271] : memref<425984x16xf32, #tpu.memory_space<hbm>> -> memref<128x16xf32, #tpu.memory_space<hbm>>
          tpu.wait_dma2 semaphore(%arg24 : memref<!tpu.dma_semaphore, #tpu.memory_space<semaphore_mem>>) src(%arg8 : memref<128x16xf32, #tpu.memory_space<vmem>>) dst(%dma_wait3A_272 : memref<128x16xf32, #tpu.memory_space<hbm>>)
        } else {
        }
        %dma_start3A_263 = arith.constant 0 : i32
        %dma_start3A_264 = tpu.memref_slice %arg5[%add3A_228, %dma_start3A_263] : memref<104x128xi32, #tpu.memory_space<vmem>> -> memref<1x128xi32, #tpu.memory_space<vmem>>
        %dma_start3A_265 = tpu.memref_squeeze %dma_start3A_264 : memref<1x128xi32, #tpu.memory_space<vmem>> -> memref<128xi32, #tpu.memory_space<vmem>>
        %dma_start3A_266 = arith.constant 0 : i32
        %dma_start3A_267 = arith.constant 0 : i32
        %dma_start3A_268 = tpu.memref_slice %arg2[%dma_start3A_266, %dma_start3A_267] : memref<2600000x16xf32, #tpu.memory_space<hbm>> -> memref<2600000x16xf32, #tpu.memory_space<hbm>>
        tpu.enqueue_indirect_dma source(%dma_start3A_268 : memref<2600000x16xf32, #tpu.memory_space<hbm>>) target(%arg8 : memref<128x16xf32, #tpu.memory_space<vmem>>) offsets(%dma_start3A_265 : memref<128xi32, #tpu.memory_space<vmem>>) semaphore(%arg16 : memref<!tpu.dma_semaphore, #tpu.memory_space<semaphore_mem>>)
      } else {
      }
      %mul3A_234 = arith.constant 8 : i32
      %mul3A_235 = arith.muli %scan3A_67, %mul3A_234 : i32
      %add3A_236 = arith.constant 7 : i32
      %add3A_237 = arith.addi %mul3A_235, %add3A_236 : i32
      %dma_wait3A_238 = arith.constant 0 : i32
      %dma_wait3A_239 = tpu.memref_slice %arg5[%add3A_237, %dma_wait3A_238] : memref<104x128xi32, #tpu.memory_space<vmem>> -> memref<1x128xi32, #tpu.memory_space<vmem>>
      %dma_wait3A_240 = tpu.memref_squeeze %dma_wait3A_239 : memref<1x128xi32, #tpu.memory_space<vmem>> -> memref<128xi32, #tpu.memory_space<vmem>>
      %dma_wait3A_241 = arith.constant 0 : i32
      %dma_wait3A_242 = arith.constant 0 : i32
      %dma_wait3A_243 = tpu.memref_slice %arg2[%dma_wait3A_241, %dma_wait3A_242] : memref<2600000x16xf32, #tpu.memory_space<hbm>> -> memref<2600000x16xf32, #tpu.memory_space<hbm>>
      tpu.wait_indirect_dma semaphore(%arg21 : memref<!tpu.dma_semaphore, #tpu.memory_space<semaphore_mem>>) src(%dma_wait3A_243 : memref<2600000x16xf32, #tpu.memory_space<hbm>>) dst(%arg13 : memref<128x16xf32, #tpu.memory_space<vmem>>)
      %mul3A_244 = arith.constant 128 : i32
      %mul3A_245 = arith.muli %add3A_237, %mul3A_244 : i32
      %add3A_246 = arith.addi %mul3A_2, %mul3A_245 : i32
      %dma_start3A_247 = arith.constant 0 : i32
      %dma_start3A_248 = tpu.memref_slice %arg4[%add3A_246, %dma_start3A_247] : memref<425984x16xf32, #tpu.memory_space<hbm>> -> memref<128x16xf32, #tpu.memory_space<hbm>>
      %dma_start3A_249 = arith.constant 0 : i32
      %dma_start3A_250 = tpu.memref_slice %arg4[%add3A_246, %dma_start3A_249] : memref<425984x16xf32, #tpu.memory_space<hbm>> -> memref<128x16xf32, #tpu.memory_space<hbm>>
      tpu.enqueue_dma source(%arg13 : memref<128x16xf32, #tpu.memory_space<vmem>>) target(%dma_start3A_250 : memref<128x16xf32, #tpu.memory_space<hbm>>) target_semaphore(%arg29 : memref<!tpu.dma_semaphore, #tpu.memory_space<semaphore_mem>>)
      %add3A_251 = arith.constant 4 : i32
      %add3A_252 = arith.addi %add3A_237, %add3A_251 : i32
      %lt3A_253 = arith.constant 104 : i32
      %lt3A_254 = arith.cmpi slt, %add3A_252, %lt3A_253 : i32
      %convert_element_type3A_255 = arith.extui %lt3A_254 : i1 to i32
      %cond3A_256 = arith.constant 0 : i32
      %cond3A_257 = arith.cmpi ne, %convert_element_type3A_255, %cond3A_256 : i32
      scf.if %cond3A_257 {
        %ge3A = arith.constant 8 : i32
        %ge3A_259 = arith.cmpi sge, %add3A_252, %ge3A : i32
        %convert_element_type3A_260 = arith.extui %ge3A_259 : i1 to i32
        %cond3A_261 = arith.constant 0 : i32
        %cond3A_262 = arith.cmpi ne, %convert_element_type3A_260, %cond3A_261 : i32
        scf.if %cond3A_262 {
          %dma_wait3A_269 = arith.constant 0 : i32
          %dma_wait3A_270 = tpu.memref_slice %arg4[%mul3A_2, %dma_wait3A_269] : memref<425984x16xf32, #tpu.memory_space<hbm>> -> memref<128x16xf32, #tpu.memory_space<hbm>>
          %dma_wait3A_271 = arith.constant 0 : i32
          %dma_wait3A_272 = tpu.memref_slice %arg4[%mul3A_2, %dma_wait3A_271] : memref<425984x16xf32, #tpu.memory_space<hbm>> -> memref<128x16xf32, #tpu.memory_space<hbm>>
          tpu.wait_dma2 semaphore(%arg25 : memref<!tpu.dma_semaphore, #tpu.memory_space<semaphore_mem>>) src(%arg9 : memref<128x16xf32, #tpu.memory_space<vmem>>) dst(%dma_wait3A_272 : memref<128x16xf32, #tpu.memory_space<hbm>>)
        } else {
        }
        %dma_start3A_263 = arith.constant 0 : i32
        %dma_start3A_264 = tpu.memref_slice %arg5[%add3A_252, %dma_start3A_263] : memref<104x128xi32, #tpu.memory_space<vmem>> -> memref<1x128xi32, #tpu.memory_space<vmem>>
        %dma_start3A_265 = tpu.memref_squeeze %dma_start3A_264 : memref<1x128xi32, #tpu.memory_space<vmem>> -> memref<128xi32, #tpu.memory_space<vmem>>
        %dma_start3A_266 = arith.constant 0 : i32
        %dma_start3A_267 = arith.constant 0 : i32
        %dma_start3A_268 = tpu.memref_slice %arg2[%dma_start3A_266, %dma_start3A_267] : memref<2600000x16xf32, #tpu.memory_space<hbm>> -> memref<2600000x16xf32, #tpu.memory_space<hbm>>
        tpu.enqueue_indirect_dma source(%dma_start3A_268 : memref<2600000x16xf32, #tpu.memory_space<hbm>>) target(%arg9 : memref<128x16xf32, #tpu.memory_space<vmem>>) offsets(%dma_start3A_265 : memref<128xi32, #tpu.memory_space<vmem>>) semaphore(%arg17 : memref<!tpu.dma_semaphore, #tpu.memory_space<semaphore_mem>>)
      } else {
      }
      %scan3A_258 = arith.constant 0 : i32
      scf.yield %scan3A_258 : i32
    }
    %scan3A_35 = arith.constant 13 : i32
    %dma_wait3A = arith.constant 0 : i32
    %dma_wait3A_36 = tpu.memref_slice %arg4[%mul3A_2, %dma_wait3A] : memref<425984x16xf32, #tpu.memory_space<hbm>> -> memref<128x16xf32, #tpu.memory_space<hbm>>
    %dma_wait3A_37 = arith.constant 0 : i32
    %dma_wait3A_38 = tpu.memref_slice %arg4[%mul3A_2, %dma_wait3A_37] : memref<425984x16xf32, #tpu.memory_space<hbm>> -> memref<128x16xf32, #tpu.memory_space<hbm>>
    tpu.wait_dma2 semaphore(%arg22 : memref<!tpu.dma_semaphore, #tpu.memory_space<semaphore_mem>>) src(%arg6 : memref<128x16xf32, #tpu.memory_space<vmem>>) dst(%dma_wait3A_38 : memref<128x16xf32, #tpu.memory_space<hbm>>)
    %dma_wait3A_39 = arith.constant 0 : i32
    %dma_wait3A_40 = tpu.memref_slice %arg4[%mul3A_2, %dma_wait3A_39] : memref<425984x16xf32, #tpu.memory_space<hbm>> -> memref<128x16xf32, #tpu.memory_space<hbm>>
    %dma_wait3A_41 = arith.constant 0 : i32
    %dma_wait3A_42 = tpu.memref_slice %arg4[%mul3A_2, %dma_wait3A_41] : memref<425984x16xf32, #tpu.memory_space<hbm>> -> memref<128x16xf32, #tpu.memory_space<hbm>>
    tpu.wait_dma2 semaphore(%arg23 : memref<!tpu.dma_semaphore, #tpu.memory_space<semaphore_mem>>) src(%arg7 : memref<128x16xf32, #tpu.memory_space<vmem>>) dst(%dma_wait3A_42 : memref<128x16xf32, #tpu.memory_space<hbm>>)
    %dma_wait3A_43 = arith.constant 0 : i32
    %dma_wait3A_44 = tpu.memref_slice %arg4[%mul3A_2, %dma_wait3A_43] : memref<425984x16xf32, #tpu.memory_space<hbm>> -> memref<128x16xf32, #tpu.memory_space<hbm>>
    %dma_wait3A_45 = arith.constant 0 : i32
    %dma_wait3A_46 = tpu.memref_slice %arg4[%mul3A_2, %dma_wait3A_45] : memref<425984x16xf32, #tpu.memory_space<hbm>> -> memref<128x16xf32, #tpu.memory_space<hbm>>
    tpu.wait_dma2 semaphore(%arg24 : memref<!tpu.dma_semaphore, #tpu.memory_space<semaphore_mem>>) src(%arg8 : memref<128x16xf32, #tpu.memory_space<vmem>>) dst(%dma_wait3A_46 : memref<128x16xf32, #tpu.memory_space<hbm>>)
    %dma_wait3A_47 = arith.constant 0 : i32
    %dma_wait3A_48 = tpu.memref_slice %arg4[%mul3A_2, %dma_wait3A_47] : memref<425984x16xf32, #tpu.memory_space<hbm>> -> memref<128x16xf32, #tpu.memory_space<hbm>>
    %dma_wait3A_49 = arith.constant 0 : i32
    %dma_wait3A_50 = tpu.memref_slice %arg4[%mul3A_2, %dma_wait3A_49] : memref<425984x16xf32, #tpu.memory_space<hbm>> -> memref<128x16xf32, #tpu.memory_space<hbm>>
    tpu.wait_dma2 semaphore(%arg25 : memref<!tpu.dma_semaphore, #tpu.memory_space<semaphore_mem>>) src(%arg9 : memref<128x16xf32, #tpu.memory_space<vmem>>) dst(%dma_wait3A_50 : memref<128x16xf32, #tpu.memory_space<hbm>>)
    %dma_wait3A_51 = arith.constant 0 : i32
    %dma_wait3A_52 = tpu.memref_slice %arg4[%mul3A_2, %dma_wait3A_51] : memref<425984x16xf32, #tpu.memory_space<hbm>> -> memref<128x16xf32, #tpu.memory_space<hbm>>
    %dma_wait3A_53 = arith.constant 0 : i32
    %dma_wait3A_54 = tpu.memref_slice %arg4[%mul3A_2, %dma_wait3A_53] : memref<425984x16xf32, #tpu.memory_space<hbm>> -> memref<128x16xf32, #tpu.memory_space<hbm>>
    tpu.wait_dma2 semaphore(%arg26 : memref<!tpu.dma_semaphore, #tpu.memory_space<semaphore_mem>>) src(%arg10 : memref<128x16xf32, #tpu.memory_space<vmem>>) dst(%dma_wait3A_54 : memref<128x16xf32, #tpu.memory_space<hbm>>)
    %dma_wait3A_55 = arith.constant 0 : i32
    %dma_wait3A_56 = tpu.memref_slice %arg4[%mul3A_2, %dma_wait3A_55] : memref<425984x16xf32, #tpu.memory_space<hbm>> -> memref<128x16xf32, #tpu.memory_space<hbm>>
    %dma_wait3A_57 = arith.constant 0 : i32
    %dma_wait3A_58 = tpu.memref_slice %arg4[%mul3A_2, %dma_wait3A_57] : memref<425984x16xf32, #tpu.memory_space<hbm>> -> memref<128x16xf32, #tpu.memory_space<hbm>>
    tpu.wait_dma2 semaphore(%arg27 : memref<!tpu.dma_semaphore, #tpu.memory_space<semaphore_mem>>) src(%arg11 : memref<128x16xf32, #tpu.memory_space<vmem>>) dst(%dma_wait3A_58 : memref<128x16xf32, #tpu.memory_space<hbm>>)
    %dma_wait3A_59 = arith.constant 0 : i32
    %dma_wait3A_60 = tpu.memref_slice %arg4[%mul3A_2, %dma_wait3A_59] : memref<425984x16xf32, #tpu.memory_space<hbm>> -> memref<128x16xf32, #tpu.memory_space<hbm>>
    %dma_wait3A_61 = arith.constant 0 : i32
    %dma_wait3A_62 = tpu.memref_slice %arg4[%mul3A_2, %dma_wait3A_61] : memref<425984x16xf32, #tpu.memory_space<hbm>> -> memref<128x16xf32, #tpu.memory_space<hbm>>
    tpu.wait_dma2 semaphore(%arg28 : memref<!tpu.dma_semaphore, #tpu.memory_space<semaphore_mem>>) src(%arg12 : memref<128x16xf32, #tpu.memory_space<vmem>>) dst(%dma_wait3A_62 : memref<128x16xf32, #tpu.memory_space<hbm>>)
    %dma_wait3A_63 = arith.constant 0 : i32
    %dma_wait3A_64 = tpu.memref_slice %arg4[%mul3A_2, %dma_wait3A_63] : memref<425984x16xf32, #tpu.memory_space<hbm>> -> memref<128x16xf32, #tpu.memory_space<hbm>>
    %dma_wait3A_65 = arith.constant 0 : i32
    %dma_wait3A_66 = tpu.memref_slice %arg4[%mul3A_2, %dma_wait3A_65] : memref<425984x16xf32, #tpu.memory_space<hbm>> -> memref<128x16xf32, #tpu.memory_space<hbm>>
    tpu.wait_dma2 semaphore(%arg29 : memref<!tpu.dma_semaphore, #tpu.memory_space<semaphore_mem>>) src(%arg13 : memref<128x16xf32, #tpu.memory_space<vmem>>) dst(%dma_wait3A_66 : memref<128x16xf32, #tpu.memory_space<hbm>>)
    return
  }
}

module attributes {stable_mosaic.version = 14 : i64} {
  func.func @body(%arg0: i32, %arg1: memref<2048x13xf32, #tpu.memory_space<vmem>>, %arg2: memref<2048x416xf32, #tpu.memory_space<vmem>>, %arg3: memref<13x512xf32, #tpu.memory_space<vmem>>, %arg4: memref<416x512xf32, #tpu.memory_space<vmem>>, %arg5: memref<1x512xf32, #tpu.memory_space<vmem>>, %arg6: memref<2048x512xf32, #tpu.memory_space<vmem>>, %arg7: memref<1x512xf32, #tpu.memory_space<vmem>>, %arg8: memref<1x512xf32, #tpu.memory_space<vmem>>) attributes {dimension_semantics = [#tpu.dimension_semantics<arbitrary>], iteration_bounds = array<i64: 8>, scalar_prefetch = 0 : i64, scratch_operands = 0 : i64, tpu.core_type = #tpu.core_type<tc>, window_params = [{transform_indices = @transform_0, window_bounds = array<i64: 2048, 13>}, {transform_indices = @transform_1, window_bounds = array<i64: 2048, 416>}, {pipeline_mode = #tpu.pipeline_mode<synchronous>, transform_indices = @transform_2, window_bounds = array<i64: 13, 512>}, {pipeline_mode = #tpu.pipeline_mode<synchronous>, transform_indices = @transform_3, window_bounds = array<i64: 416, 512>}, {pipeline_mode = #tpu.pipeline_mode<synchronous>, transform_indices = @transform_4, window_bounds = array<i64: 1, 512>}, {transform_indices = @transform_5, window_bounds = array<i64: 2048, 512>}, {pipeline_mode = #tpu.pipeline_mode<synchronous>, transform_indices = @transform_6, window_bounds = array<i64: 1, 512>}, {pipeline_mode = #tpu.pipeline_mode<synchronous>, transform_indices = @transform_7, window_bounds = array<i64: 1, 512>}]} {
    %get3A = arith.constant 0 : index
    %get3A_0 = arith.constant 0 : index
    %get3A_1 = vector.load %arg1[%get3A, %get3A_0] : memref<2048x13xf32, #tpu.memory_space<vmem>>, vector<2048x13xf32>
    %get3A_2 = arith.constant 0 : index
    %get3A_3 = arith.constant 0 : index
    %get3A_4 = vector.load %arg3[%get3A_2, %get3A_3] : memref<13x512xf32, #tpu.memory_space<vmem>>, vector<13x512xf32>
    %dot_general3A = arith.constant dense<0.000000e+00> : vector<2048x512xf32>
    %dot_general3A_5 = tpu.matmul %get3A_1, %get3A_4, %dot_general3A {dimension_numbers = #tpu.dot_dimension_numbers<[1], [0], [0], [1], [0, 0, 1, 1], [], []>, transpose_lhs_hint = false} : vector<2048x13xf32>, vector<13x512xf32>, vector<2048x512xf32> -> vector<2048x512xf32>
    %get3A_6 = arith.constant 0 : index
    %get3A_7 = arith.constant 0 : index
    %get3A_8 = vector.load %arg2[%get3A_6, %get3A_7] : memref<2048x416xf32, #tpu.memory_space<vmem>>, vector<2048x416xf32>
    %get3A_9 = arith.constant 0 : index
    %get3A_10 = arith.constant 0 : index
    %get3A_11 = vector.load %arg4[%get3A_9, %get3A_10] : memref<416x512xf32, #tpu.memory_space<vmem>>, vector<416x512xf32>
    %dot_general3A_12 = arith.constant dense<0.000000e+00> : vector<2048x512xf32>
    %dot_general3A_13 = tpu.matmul %get3A_8, %get3A_11, %dot_general3A_12 {dimension_numbers = #tpu.dot_dimension_numbers<[1], [0], [0], [1], [0, 0, 1, 1], [], []>, transpose_lhs_hint = false} : vector<2048x416xf32>, vector<416x512xf32>, vector<2048x512xf32> -> vector<2048x512xf32>
    %add3A = arith.addf %dot_general3A_5, %dot_general3A_13 : vector<2048x512xf32>
    %get3A_14 = arith.constant 0 : index
    %get3A_15 = arith.constant 0 : index
    %get3A_16 = vector.load %arg5[%get3A_14, %get3A_15] : memref<1x512xf32, #tpu.memory_space<vmem>>, vector<1x512xf32>
    %add3A_17 = vector.broadcast %get3A_16 : vector<1x512xf32> to vector<2048x512xf32>
    %add3A_18 = arith.addf %add3A, %add3A_17 : vector<2048x512xf32>
    %swap3A = arith.constant 0 : index
    %swap3A_19 = arith.constant 0 : index
    %swap3A_20 = vector.load %arg6[%swap3A, %swap3A_19] : memref<2048x512xf32, #tpu.memory_space<vmem>>, vector<2048x512xf32>
    tpu.vector_store %arg6[%swap3A, %swap3A_19], %add3A_18 {strides = array<i32>} : memref<2048x512xf32, #tpu.memory_space<vmem>>, vector<2048x512xf32>,
    %eq3A = arith.constant 0 : i32
    %eq3A_21 = arith.cmpi eq, %arg0, %eq3A : i32
    %convert_element_type3A = arith.extui %eq3A_21 : i1 to i32
    %cond3A = arith.constant 0 : i32
    %cond3A_22 = arith.cmpi ne, %convert_element_type3A, %cond3A : i32
    scf.if %cond3A_22 {
      %broadcast_in_dim3A_41 = arith.constant 0.000000e+00 : f32
      %broadcast_in_dim3A_42 = vector.broadcast %broadcast_in_dim3A_41 : f32 to vector<1x512xf32>
      %swap3A_43 = arith.constant 0 : index
      %swap3A_44 = arith.constant 0 : index
      %swap3A_45 = vector.load %arg7[%swap3A_43, %swap3A_44] : memref<1x512xf32, #tpu.memory_space<vmem>>, vector<1x512xf32>
      tpu.vector_store %arg7[%swap3A_43, %swap3A_44], %broadcast_in_dim3A_42 {strides = array<i32>} : memref<1x512xf32, #tpu.memory_space<vmem>>, vector<1x512xf32>,
      %broadcast_in_dim3A_46 = arith.constant 0.000000e+00 : f32
      %broadcast_in_dim3A_47 = vector.broadcast %broadcast_in_dim3A_46 : f32 to vector<1x512xf32>
      %swap3A_48 = arith.constant 0 : index
      %swap3A_49 = arith.constant 0 : index
      %swap3A_50 = vector.load %arg8[%swap3A_48, %swap3A_49] : memref<1x512xf32, #tpu.memory_space<vmem>>, vector<1x512xf32>
      tpu.vector_store %arg8[%swap3A_48, %swap3A_49], %broadcast_in_dim3A_47 {strides = array<i32>} : memref<1x512xf32, #tpu.memory_space<vmem>>, vector<1x512xf32>,
    } else {
    }
    %get3A_23 = arith.constant 0 : index
    %get3A_24 = arith.constant 0 : index
    %get3A_25 = vector.load %arg7[%get3A_23, %get3A_24] : memref<1x512xf32, #tpu.memory_space<vmem>>, vector<1x512xf32>
    %reduce_sum3A = arith.constant dense<0.000000e+00> : vector<512xf32>
    %reduce_sum3A_26 = vector.multi_reduction <add>, %add3A_18, %reduce_sum3A [0] : vector<2048x512xf32> to vector<512xf32>
    %broadcast_in_dim3A = vector.shape_cast %reduce_sum3A_26 : vector<512xf32> to vector<1x512xf32>
    %add3A_27 = arith.addf %get3A_25, %broadcast_in_dim3A : vector<1x512xf32>
    %swap3A_28 = arith.constant 0 : index
    %swap3A_29 = arith.constant 0 : index
    %swap3A_30 = vector.load %arg7[%swap3A_28, %swap3A_29] : memref<1x512xf32, #tpu.memory_space<vmem>>, vector<1x512xf32>
    tpu.vector_store %arg7[%swap3A_28, %swap3A_29], %add3A_27 {strides = array<i32>} : memref<1x512xf32, #tpu.memory_space<vmem>>, vector<1x512xf32>,
    %get3A_31 = arith.constant 0 : index
    %get3A_32 = arith.constant 0 : index
    %get3A_33 = vector.load %arg8[%get3A_31, %get3A_32] : memref<1x512xf32, #tpu.memory_space<vmem>>, vector<1x512xf32>
    %mul3A = arith.mulf %add3A_18, %add3A_18 : vector<2048x512xf32>
    %reduce_sum3A_34 = arith.constant dense<0.000000e+00> : vector<512xf32>
    %reduce_sum3A_35 = vector.multi_reduction <add>, %mul3A, %reduce_sum3A_34 [0] : vector<2048x512xf32> to vector<512xf32>
    %broadcast_in_dim3A_36 = vector.shape_cast %reduce_sum3A_35 : vector<512xf32> to vector<1x512xf32>
    %add3A_37 = arith.addf %get3A_33, %broadcast_in_dim3A_36 : vector<1x512xf32>
    %swap3A_38 = arith.constant 0 : index
    %swap3A_39 = arith.constant 0 : index
    %swap3A_40 = vector.load %arg8[%swap3A_38, %swap3A_39] : memref<1x512xf32, #tpu.memory_space<vmem>>, vector<1x512xf32>
    tpu.vector_store %arg8[%swap3A_38, %swap3A_39], %add3A_37 {strides = array<i32>} : memref<1x512xf32, #tpu.memory_space<vmem>>, vector<1x512xf32>,
    return
  }
  func.func @transform_0(%arg0: i32) -> (i32, i32) {
    %c0_i32 = arith.constant 0 : i32
    %c0_i32_0 = arith.constant 0 : i32
    return %arg0, %c0_i32 : i32, i32
  }
  func.func @transform_1(%arg0: i32) -> (i32, i32) {
    %c0_i32 = arith.constant 0 : i32
    %c0_i32_0 = arith.constant 0 : i32
    return %arg0, %c0_i32 : i32, i32
  }
  func.func @transform_2(%arg0: i32) -> (i32, i32) {
    %c0_i32 = arith.constant 0 : i32
    %c0_i32_0 = arith.constant 0 : i32
    %c0_i32_1 = arith.constant 0 : i32
    return %c0_i32, %c0_i32_0 : i32, i32
  }
  func.func @transform_3(%arg0: i32) -> (i32, i32) {
    %c0_i32 = arith.constant 0 : i32
    %c0_i32_0 = arith.constant 0 : i32
    %c0_i32_1 = arith.constant 0 : i32
    return %c0_i32, %c0_i32_0 : i32, i32
  }
  func.func @transform_4(%arg0: i32) -> (i32, i32) {
    %c0_i32 = arith.constant 0 : i32
    %c0_i32_0 = arith.constant 0 : i32
    %c0_i32_1 = arith.constant 0 : i32
    return %c0_i32, %c0_i32_0 : i32, i32
  }
  func.func @transform_5(%arg0: i32) -> (i32, i32) {
    %c0_i32 = arith.constant 0 : i32
    %c0_i32_0 = arith.constant 0 : i32
    return %arg0, %c0_i32 : i32, i32
  }
  func.func @transform_6(%arg0: i32) -> (i32, i32) {
    %c0_i32 = arith.constant 0 : i32
    %c0_i32_0 = arith.constant 0 : i32
    %c0_i32_1 = arith.constant 0 : i32
    return %c0_i32, %c0_i32_0 : i32, i32
  }
  func.func @transform_7(%arg0: i32) -> (i32, i32) {
    %c0_i32 = arith.constant 0 : i32
    %c0_i32_0 = arith.constant 0 : i32
    %c0_i32_1 = arith.constant 0 : i32
    return %c0_i32, %c0_i32_0 : i32, i32
  }
}

module attributes {stable_mosaic.version = 14 : i64} {
  func.func @body(%arg0: i32, %arg1: memref<2048x512xf32, #tpu.memory_space<vmem>>, %arg2: memref<1x512xf32, #tpu.memory_space<vmem>>, %arg3: memref<1x512xf32, #tpu.memory_space<vmem>>, %arg4: memref<1x512xf32, #tpu.memory_space<vmem>>, %arg5: memref<1x512xf32, #tpu.memory_space<vmem>>, %arg6: memref<512x256xf32, #tpu.memory_space<vmem>>, %arg7: memref<1x256xf32, #tpu.memory_space<vmem>>, %arg8: memref<2048x256xf32, #tpu.memory_space<vmem>>, %arg9: memref<1x256xf32, #tpu.memory_space<vmem>>, %arg10: memref<1x256xf32, #tpu.memory_space<vmem>>) attributes {dimension_semantics = [#tpu.dimension_semantics<arbitrary>], iteration_bounds = array<i64: 8>, scalar_prefetch = 0 : i64, scratch_operands = 0 : i64, tpu.core_type = #tpu.core_type<tc>, window_params = [{transform_indices = @transform_0, window_bounds = array<i64: 2048, 512>}, {pipeline_mode = #tpu.pipeline_mode<synchronous>, transform_indices = @transform_1, window_bounds = array<i64: 1, 512>}, {pipeline_mode = #tpu.pipeline_mode<synchronous>, transform_indices = @transform_2, window_bounds = array<i64: 1, 512>}, {pipeline_mode = #tpu.pipeline_mode<synchronous>, transform_indices = @transform_3, window_bounds = array<i64: 1, 512>}, {pipeline_mode = #tpu.pipeline_mode<synchronous>, transform_indices = @transform_4, window_bounds = array<i64: 1, 512>}, {pipeline_mode = #tpu.pipeline_mode<synchronous>, transform_indices = @transform_5, window_bounds = array<i64: 512, 256>}, {pipeline_mode = #tpu.pipeline_mode<synchronous>, transform_indices = @transform_6, window_bounds = array<i64: 1, 256>}, {transform_indices = @transform_7, window_bounds = array<i64: 2048, 256>}, {pipeline_mode = #tpu.pipeline_mode<synchronous>, transform_indices = @transform_8, window_bounds = array<i64: 1, 256>}, {pipeline_mode = #tpu.pipeline_mode<synchronous>, transform_indices = @transform_9, window_bounds = array<i64: 1, 256>}]} {
    %get3A = arith.constant 0 : index
    %get3A_0 = arith.constant 0 : index
    %get3A_1 = vector.load %arg2[%get3A, %get3A_0] : memref<1x512xf32, #tpu.memory_space<vmem>>, vector<1x512xf32>
    %mul3A = arith.constant 6.10351563E-5 : f32
    %mul3A_2 = vector.broadcast %mul3A : f32 to vector<1x512xf32>
    %mul3A_3 = arith.mulf %get3A_1, %mul3A_2 : vector<1x512xf32>
    %get3A_4 = arith.constant 0 : index
    %get3A_5 = arith.constant 0 : index
    %get3A_6 = vector.load %arg3[%get3A_4, %get3A_5] : memref<1x512xf32, #tpu.memory_space<vmem>>, vector<1x512xf32>
    %mul3A_7 = arith.constant 6.10351563E-5 : f32
    %mul3A_8 = vector.broadcast %mul3A_7 : f32 to vector<1x512xf32>
    %mul3A_9 = arith.mulf %get3A_6, %mul3A_8 : vector<1x512xf32>
    %mul3A_10 = arith.mulf %mul3A_3, %mul3A_3 : vector<1x512xf32>
    %sub3A = arith.subf %mul3A_9, %mul3A_10 : vector<1x512xf32>
    %add3A = arith.constant 9.99999974E-6 : f32
    %add3A_11 = vector.broadcast %add3A : f32 to vector<1x512xf32>
    %add3A_12 = arith.addf %sub3A, %add3A_11 : vector<1x512xf32>
    %rsqrt3A = math.rsqrt %add3A_12 : vector<1x512xf32>
    %get3A_13 = arith.constant 0 : index
    %get3A_14 = arith.constant 0 : index
    %get3A_15 = vector.load %arg4[%get3A_13, %get3A_14] : memref<1x512xf32, #tpu.memory_space<vmem>>, vector<1x512xf32>
    %mul3A_16 = arith.mulf %get3A_15, %rsqrt3A : vector<1x512xf32>
    %get3A_17 = arith.constant 0 : index
    %get3A_18 = arith.constant 0 : index
    %get3A_19 = vector.load %arg5[%get3A_17, %get3A_18] : memref<1x512xf32, #tpu.memory_space<vmem>>, vector<1x512xf32>
    %mul3A_20 = arith.mulf %mul3A_3, %mul3A_16 : vector<1x512xf32>
    %sub3A_21 = arith.subf %get3A_19, %mul3A_20 : vector<1x512xf32>
    %get3A_22 = arith.constant 0 : index
    %get3A_23 = arith.constant 0 : index
    %get3A_24 = vector.load %arg1[%get3A_22, %get3A_23] : memref<2048x512xf32, #tpu.memory_space<vmem>>, vector<2048x512xf32>
    %mul3A_25 = vector.broadcast %mul3A_16 : vector<1x512xf32> to vector<2048x512xf32>
    %mul3A_26 = arith.mulf %get3A_24, %mul3A_25 : vector<2048x512xf32>
    %add3A_27 = vector.broadcast %sub3A_21 : vector<1x512xf32> to vector<2048x512xf32>
    %add3A_28 = arith.addf %mul3A_26, %add3A_27 : vector<2048x512xf32>
    %max3A = arith.constant 0.000000e+00 : f32
    %max3A_29 = vector.broadcast %max3A : f32 to vector<2048x512xf32>
    %max3A_30 = arith.maximumf %add3A_28, %max3A_29 : vector<2048x512xf32>
    %get3A_31 = arith.constant 0 : index
    %get3A_32 = arith.constant 0 : index
    %get3A_33 = vector.load %arg6[%get3A_31, %get3A_32] : memref<512x256xf32, #tpu.memory_space<vmem>>, vector<512x256xf32>
    %dot_general3A = arith.constant dense<0.000000e+00> : vector<2048x256xf32>
    %dot_general3A_34 = tpu.matmul %max3A_30, %get3A_33, %dot_general3A {dimension_numbers = #tpu.dot_dimension_numbers<[1], [0], [0], [1], [0, 0, 1, 1], [], []>, transpose_lhs_hint = false} : vector<2048x512xf32>, vector<512x256xf32>, vector<2048x256xf32> -> vector<2048x256xf32>
    %get3A_35 = arith.constant 0 : index
    %get3A_36 = arith.constant 0 : index
    %get3A_37 = vector.load %arg7[%get3A_35, %get3A_36] : memref<1x256xf32, #tpu.memory_space<vmem>>, vector<1x256xf32>
    %add3A_38 = vector.broadcast %get3A_37 : vector<1x256xf32> to vector<2048x256xf32>
    %add3A_39 = arith.addf %dot_general3A_34, %add3A_38 : vector<2048x256xf32>
    %swap3A = arith.constant 0 : index
    %swap3A_40 = arith.constant 0 : index
    %swap3A_41 = vector.load %arg8[%swap3A, %swap3A_40] : memref<2048x256xf32, #tpu.memory_space<vmem>>, vector<2048x256xf32>
    tpu.vector_store %arg8[%swap3A, %swap3A_40], %add3A_39 {strides = array<i32>} : memref<2048x256xf32, #tpu.memory_space<vmem>>, vector<2048x256xf32>,
    %eq3A = arith.constant 0 : i32
    %eq3A_42 = arith.cmpi eq, %arg0, %eq3A : i32
    %convert_element_type3A = arith.extui %eq3A_42 : i1 to i32
    %cond3A = arith.constant 0 : i32
    %cond3A_43 = arith.cmpi ne, %convert_element_type3A, %cond3A : i32
    scf.if %cond3A_43 {
      %broadcast_in_dim3A_63 = arith.constant 0.000000e+00 : f32
      %broadcast_in_dim3A_64 = vector.broadcast %broadcast_in_dim3A_63 : f32 to vector<1x256xf32>
      %swap3A_65 = arith.constant 0 : index
      %swap3A_66 = arith.constant 0 : index
      %swap3A_67 = vector.load %arg9[%swap3A_65, %swap3A_66] : memref<1x256xf32, #tpu.memory_space<vmem>>, vector<1x256xf32>
      tpu.vector_store %arg9[%swap3A_65, %swap3A_66], %broadcast_in_dim3A_64 {strides = array<i32>} : memref<1x256xf32, #tpu.memory_space<vmem>>, vector<1x256xf32>,
      %broadcast_in_dim3A_68 = arith.constant 0.000000e+00 : f32
      %broadcast_in_dim3A_69 = vector.broadcast %broadcast_in_dim3A_68 : f32 to vector<1x256xf32>
      %swap3A_70 = arith.constant 0 : index
      %swap3A_71 = arith.constant 0 : index
      %swap3A_72 = vector.load %arg10[%swap3A_70, %swap3A_71] : memref<1x256xf32, #tpu.memory_space<vmem>>, vector<1x256xf32>
      tpu.vector_store %arg10[%swap3A_70, %swap3A_71], %broadcast_in_dim3A_69 {strides = array<i32>} : memref<1x256xf32, #tpu.memory_space<vmem>>, vector<1x256xf32>,
    } else {
    }
    %get3A_44 = arith.constant 0 : index
    %get3A_45 = arith.constant 0 : index
    %get3A_46 = vector.load %arg9[%get3A_44, %get3A_45] : memref<1x256xf32, #tpu.memory_space<vmem>>, vector<1x256xf32>
    %reduce_sum3A = arith.constant dense<0.000000e+00> : vector<256xf32>
    %reduce_sum3A_47 = vector.multi_reduction <add>, %add3A_39, %reduce_sum3A [0] : vector<2048x256xf32> to vector<256xf32>
    %broadcast_in_dim3A = vector.shape_cast %reduce_sum3A_47 : vector<256xf32> to vector<1x256xf32>
    %add3A_48 = arith.addf %get3A_46, %broadcast_in_dim3A : vector<1x256xf32>
    %swap3A_49 = arith.constant 0 : index
    %swap3A_50 = arith.constant 0 : index
    %swap3A_51 = vector.load %arg9[%swap3A_49, %swap3A_50] : memref<1x256xf32, #tpu.memory_space<vmem>>, vector<1x256xf32>
    tpu.vector_store %arg9[%swap3A_49, %swap3A_50], %add3A_48 {strides = array<i32>} : memref<1x256xf32, #tpu.memory_space<vmem>>, vector<1x256xf32>,
    %get3A_52 = arith.constant 0 : index
    %get3A_53 = arith.constant 0 : index
    %get3A_54 = vector.load %arg10[%get3A_52, %get3A_53] : memref<1x256xf32, #tpu.memory_space<vmem>>, vector<1x256xf32>
    %mul3A_55 = arith.mulf %add3A_39, %add3A_39 : vector<2048x256xf32>
    %reduce_sum3A_56 = arith.constant dense<0.000000e+00> : vector<256xf32>
    %reduce_sum3A_57 = vector.multi_reduction <add>, %mul3A_55, %reduce_sum3A_56 [0] : vector<2048x256xf32> to vector<256xf32>
    %broadcast_in_dim3A_58 = vector.shape_cast %reduce_sum3A_57 : vector<256xf32> to vector<1x256xf32>
    %add3A_59 = arith.addf %get3A_54, %broadcast_in_dim3A_58 : vector<1x256xf32>
    %swap3A_60 = arith.constant 0 : index
    %swap3A_61 = arith.constant 0 : index
    %swap3A_62 = vector.load %arg10[%swap3A_60, %swap3A_61] : memref<1x256xf32, #tpu.memory_space<vmem>>, vector<1x256xf32>
    tpu.vector_store %arg10[%swap3A_60, %swap3A_61], %add3A_59 {strides = array<i32>} : memref<1x256xf32, #tpu.memory_space<vmem>>, vector<1x256xf32>,
    return
  }
  func.func @transform_0(%arg0: i32) -> (i32, i32) {
    %c0_i32 = arith.constant 0 : i32
    %c0_i32_0 = arith.constant 0 : i32
    return %arg0, %c0_i32 : i32, i32
  }
  func.func @transform_1(%arg0: i32) -> (i32, i32) {
    %c0_i32 = arith.constant 0 : i32
    %c0_i32_0 = arith.constant 0 : i32
    %c0_i32_1 = arith.constant 0 : i32
    return %c0_i32, %c0_i32_0 : i32, i32
  }
  func.func @transform_2(%arg0: i32) -> (i32, i32) {
    %c0_i32 = arith.constant 0 : i32
    %c0_i32_0 = arith.constant 0 : i32
    %c0_i32_1 = arith.constant 0 : i32
    return %c0_i32, %c0_i32_0 : i32, i32
  }
  func.func @transform_3(%arg0: i32) -> (i32, i32) {
    %c0_i32 = arith.constant 0 : i32
    %c0_i32_0 = arith.constant 0 : i32
    %c0_i32_1 = arith.constant 0 : i32
    return %c0_i32, %c0_i32_0 : i32, i32
  }
  func.func @transform_4(%arg0: i32) -> (i32, i32) {
    %c0_i32 = arith.constant 0 : i32
    %c0_i32_0 = arith.constant 0 : i32
    %c0_i32_1 = arith.constant 0 : i32
    return %c0_i32, %c0_i32_0 : i32, i32
  }
  func.func @transform_5(%arg0: i32) -> (i32, i32) {
    %c0_i32 = arith.constant 0 : i32
    %c0_i32_0 = arith.constant 0 : i32
    %c0_i32_1 = arith.constant 0 : i32
    return %c0_i32, %c0_i32_0 : i32, i32
  }
  func.func @transform_6(%arg0: i32) -> (i32, i32) {
    %c0_i32 = arith.constant 0 : i32
    %c0_i32_0 = arith.constant 0 : i32
    %c0_i32_1 = arith.constant 0 : i32
    return %c0_i32, %c0_i32_0 : i32, i32
  }
  func.func @transform_7(%arg0: i32) -> (i32, i32) {
    %c0_i32 = arith.constant 0 : i32
    %c0_i32_0 = arith.constant 0 : i32
    return %arg0, %c0_i32 : i32, i32
  }
  func.func @transform_8(%arg0: i32) -> (i32, i32) {
    %c0_i32 = arith.constant 0 : i32
    %c0_i32_0 = arith.constant 0 : i32
    %c0_i32_1 = arith.constant 0 : i32
    return %c0_i32, %c0_i32_0 : i32, i32
  }
  func.func @transform_9(%arg0: i32) -> (i32, i32) {
    %c0_i32 = arith.constant 0 : i32
    %c0_i32_0 = arith.constant 0 : i32
    %c0_i32_1 = arith.constant 0 : i32
    return %c0_i32, %c0_i32_0 : i32, i32
  }
}

module attributes {stable_mosaic.version = 14 : i64} {
  func.func @body(%arg0: i32, %arg1: memref<2048x256xf32, #tpu.memory_space<vmem>>, %arg2: memref<1x256xf32, #tpu.memory_space<vmem>>, %arg3: memref<1x256xf32, #tpu.memory_space<vmem>>, %arg4: memref<1x256xf32, #tpu.memory_space<vmem>>, %arg5: memref<1x256xf32, #tpu.memory_space<vmem>>, %arg6: memref<1x256xf32, #tpu.memory_space<vmem>>, %arg7: memref<1x1xf32, #tpu.memory_space<vmem>>, %arg8: memref<2048x1xf32, #tpu.memory_space<vmem>>) attributes {dimension_semantics = [#tpu.dimension_semantics<arbitrary>], iteration_bounds = array<i64: 8>, scalar_prefetch = 0 : i64, scratch_operands = 0 : i64, tpu.core_type = #tpu.core_type<tc>, window_params = [{transform_indices = @transform_0, window_bounds = array<i64: 2048, 256>}, {pipeline_mode = #tpu.pipeline_mode<synchronous>, transform_indices = @transform_1, window_bounds = array<i64: 1, 256>}, {pipeline_mode = #tpu.pipeline_mode<synchronous>, transform_indices = @transform_2, window_bounds = array<i64: 1, 256>}, {pipeline_mode = #tpu.pipeline_mode<synchronous>, transform_indices = @transform_3, window_bounds = array<i64: 1, 256>}, {pipeline_mode = #tpu.pipeline_mode<synchronous>, transform_indices = @transform_4, window_bounds = array<i64: 1, 256>}, {pipeline_mode = #tpu.pipeline_mode<synchronous>, transform_indices = @transform_5, window_bounds = array<i64: 1, 256>}, {pipeline_mode = #tpu.pipeline_mode<synchronous>, transform_indices = @transform_6, window_bounds = array<i64: 1, 1>}, {transform_indices = @transform_7, window_bounds = array<i64: 2048, 1>}]} {
    %get3A = arith.constant 0 : index
    %get3A_0 = arith.constant 0 : index
    %get3A_1 = vector.load %arg2[%get3A, %get3A_0] : memref<1x256xf32, #tpu.memory_space<vmem>>, vector<1x256xf32>
    %mul3A = arith.constant 6.10351563E-5 : f32
    %mul3A_2 = vector.broadcast %mul3A : f32 to vector<1x256xf32>
    %mul3A_3 = arith.mulf %get3A_1, %mul3A_2 : vector<1x256xf32>
    %get3A_4 = arith.constant 0 : index
    %get3A_5 = arith.constant 0 : index
    %get3A_6 = vector.load %arg3[%get3A_4, %get3A_5] : memref<1x256xf32, #tpu.memory_space<vmem>>, vector<1x256xf32>
    %mul3A_7 = arith.constant 6.10351563E-5 : f32
    %mul3A_8 = vector.broadcast %mul3A_7 : f32 to vector<1x256xf32>
    %mul3A_9 = arith.mulf %get3A_6, %mul3A_8 : vector<1x256xf32>
    %mul3A_10 = arith.mulf %mul3A_3, %mul3A_3 : vector<1x256xf32>
    %sub3A = arith.subf %mul3A_9, %mul3A_10 : vector<1x256xf32>
    %add3A = arith.constant 9.99999974E-6 : f32
    %add3A_11 = vector.broadcast %add3A : f32 to vector<1x256xf32>
    %add3A_12 = arith.addf %sub3A, %add3A_11 : vector<1x256xf32>
    %rsqrt3A = math.rsqrt %add3A_12 : vector<1x256xf32>
    %get3A_13 = arith.constant 0 : index
    %get3A_14 = arith.constant 0 : index
    %get3A_15 = vector.load %arg4[%get3A_13, %get3A_14] : memref<1x256xf32, #tpu.memory_space<vmem>>, vector<1x256xf32>
    %mul3A_16 = arith.mulf %get3A_15, %rsqrt3A : vector<1x256xf32>
    %get3A_17 = arith.constant 0 : index
    %get3A_18 = arith.constant 0 : index
    %get3A_19 = vector.load %arg5[%get3A_17, %get3A_18] : memref<1x256xf32, #tpu.memory_space<vmem>>, vector<1x256xf32>
    %mul3A_20 = arith.mulf %mul3A_3, %mul3A_16 : vector<1x256xf32>
    %sub3A_21 = arith.subf %get3A_19, %mul3A_20 : vector<1x256xf32>
    %get3A_22 = arith.constant 0 : index
    %get3A_23 = arith.constant 0 : index
    %get3A_24 = vector.load %arg1[%get3A_22, %get3A_23] : memref<2048x256xf32, #tpu.memory_space<vmem>>, vector<2048x256xf32>
    %mul3A_25 = vector.broadcast %mul3A_16 : vector<1x256xf32> to vector<2048x256xf32>
    %mul3A_26 = arith.mulf %get3A_24, %mul3A_25 : vector<2048x256xf32>
    %add3A_27 = vector.broadcast %sub3A_21 : vector<1x256xf32> to vector<2048x256xf32>
    %add3A_28 = arith.addf %mul3A_26, %add3A_27 : vector<2048x256xf32>
    %max3A = arith.constant 0.000000e+00 : f32
    %max3A_29 = vector.broadcast %max3A : f32 to vector<2048x256xf32>
    %max3A_30 = arith.maximumf %add3A_28, %max3A_29 : vector<2048x256xf32>
    %get3A_31 = arith.constant 0 : index
    %get3A_32 = arith.constant 0 : index
    %get3A_33 = vector.load %arg6[%get3A_31, %get3A_32] : memref<1x256xf32, #tpu.memory_space<vmem>>, vector<1x256xf32>
    %mul3A_34 = vector.broadcast %get3A_33 : vector<1x256xf32> to vector<2048x256xf32>
    %mul3A_35 = arith.mulf %max3A_30, %mul3A_34 : vector<2048x256xf32>
    %reduce_sum3A = arith.constant dense<0.000000e+00> : vector<2048xf32>
    %reduce_sum3A_36 = vector.multi_reduction <add>, %mul3A_35, %reduce_sum3A [1] : vector<2048x256xf32> to vector<2048xf32>
    %broadcast_in_dim3A = vector.shape_cast %reduce_sum3A_36 : vector<2048xf32> to vector<2048x1xf32>
    %get3A_37 = arith.constant 0 : index
    %get3A_38 = arith.constant 0 : index
    %get3A_39 = vector.load %arg7[%get3A_37, %get3A_38] : memref<1x1xf32, #tpu.memory_space<vmem>>, vector<1x1xf32>
    %add3A_40 = vector.broadcast %get3A_39 : vector<1x1xf32> to vector<2048x1xf32>
    %add3A_41 = arith.addf %broadcast_in_dim3A, %add3A_40 : vector<2048x1xf32>
    %swap3A = arith.constant 0 : index
    %swap3A_42 = arith.constant 0 : index
    %swap3A_43 = vector.load %arg8[%swap3A, %swap3A_42] : memref<2048x1xf32, #tpu.memory_space<vmem>>, vector<2048x1xf32>
    tpu.vector_store %arg8[%swap3A, %swap3A_42], %add3A_41 {strides = array<i32>} : memref<2048x1xf32, #tpu.memory_space<vmem>>, vector<2048x1xf32>,
    return
  }
  func.func @transform_0(%arg0: i32) -> (i32, i32) {
    %c0_i32 = arith.constant 0 : i32
    %c0_i32_0 = arith.constant 0 : i32
    return %arg0, %c0_i32 : i32, i32
  }
  func.func @transform_1(%arg0: i32) -> (i32, i32) {
    %c0_i32 = arith.constant 0 : i32
    %c0_i32_0 = arith.constant 0 : i32
    %c0_i32_1 = arith.constant 0 : i32
    return %c0_i32, %c0_i32_0 : i32, i32
  }
  func.func @transform_2(%arg0: i32) -> (i32, i32) {
    %c0_i32 = arith.constant 0 : i32
    %c0_i32_0 = arith.constant 0 : i32
    %c0_i32_1 = arith.constant 0 : i32
    return %c0_i32, %c0_i32_0 : i32, i32
  }
  func.func @transform_3(%arg0: i32) -> (i32, i32) {
    %c0_i32 = arith.constant 0 : i32
    %c0_i32_0 = arith.constant 0 : i32
    %c0_i32_1 = arith.constant 0 : i32
    return %c0_i32, %c0_i32_0 : i32, i32
  }
  func.func @transform_4(%arg0: i32) -> (i32, i32) {
    %c0_i32 = arith.constant 0 : i32
    %c0_i32_0 = arith.constant 0 : i32
    %c0_i32_1 = arith.constant 0 : i32
    return %c0_i32, %c0_i32_0 : i32, i32
  }
  func.func @transform_5(%arg0: i32) -> (i32, i32) {
    %c0_i32 = arith.constant 0 : i32
    %c0_i32_0 = arith.constant 0 : i32
    %c0_i32_1 = arith.constant 0 : i32
    return %c0_i32, %c0_i32_0 : i32, i32
  }
  func.func @transform_6(%arg0: i32) -> (i32, i32) {
    %c0_i32 = arith.constant 0 : i32
    %c0_i32_0 = arith.constant 0 : i32
    %c0_i32_1 = arith.constant 0 : i32
    return %c0_i32, %c0_i32_0 : i32, i32
  }
  func.func @transform_7(%arg0: i32) -> (i32, i32) {
    %c0_i32 = arith.constant 0 : i32
    %c0_i32_0 = arith.constant 0 : i32
    return %arg0, %c0_i32 : i32, i32
  }
}

</mosaic_0001>

<sc_bundles>
// kernel: kernel.6.cloned.1.call-start
scs
__scs_entry_jumppad:
0x0: {  	(pc) =	sbr.rel $0x88, $3  }
0x1: {  	(tag) =	ssettag $0x0;
	lr =	simm.s32 $0x1  }
0x2: {  	[smem:$0x3F95] =	sst lr;
	_ =	strace $0xD0000000  }
0x3: {  	_ = 	snop  }
0x4: {  	_ = 	snop  }
0x5: {  	_ = 	snop  }
0x6: {  	_ = 	snop  }
0x7: {  	_ = 	snop  }
__scs_overlays_trampoline_lowered:
0x8: {  	[smem:$0x3FA4] =	sst s0  }
0x9: {  	[smem:$0x3FA5] =	sst s1  }
0xa: {  	[smem:$0x3FA6] =	sst s2  }
0xb: {  	[smem:$0x3FA7] =	sst s3  }
0xc: {  	[smem:$0x3FA8] =	sst s4  }
0xd: {  	[smem:$0x3FA9] =	sst s5  }
0xe: {  	[smem:$0x3FAA] =	sst s6  }
0xf: {  	[smem:$0x3FAB] =	sst s7  }
0x10: {  	[smem:$0x3FAC] =	sst s8  }
0x11: {  	[smem:$0x3FAD] =	sst s9;
	s0 =	simm.s32 @!p0 $0x0  }
0x12: {  	s1 =	sld [smem:$0x3F93];
	s0 =	simm.s32 @p0 $0x1  }
0x13: {  	[smem:$0x3FAE] =	sst s0;
	s0 =	simm.s32 @!p1 $0x0  }
0x14: {  	s2 =	sld [smem:$0x3F92];
	s0 =	simm.s32 @p1 $0x1  }
0x15: {  	[smem:$0x3FAF] =	sst s0;
	s0 =	simm.s32 @!p2 $0x0  }
0x16: {  	s3 =	sld [smem:$0x3FDB];
	s0 =	simm.s32 @p2 $0x1  }
0x17: {  	s4 =	simm.s32 $0x1BF5;
	[smem:$0x3FB1] =	sst s0  }
0x18: {  	s0 =	sld [smem:$0x3F94];
	_ =	swait.ge [sflag:s4], $0x0  }
0x19: {  	s7 =	sld [smem:$0x3F95]  }
0x1a: {  	s8 =	sadd.s32 $0xFFFFE003, lr  }
0x1b: {  	s9 =	sadd.s32 $0xFFFFFEF7, lr;
	s5 =	simm.s32 $0xFFFFFFFF;
	p2 =	slt.u32 s8, $0xFFFFF086  }
0x1c: {  	p1 =	slt.u32 s9, $0xF7A;
	s5 =	simm.s32 @!p2 $0x0  }
0x1d: {  	s5 =	simm.s32 @p1 $0x1;
	p0 =	seq.s32 s7, s2  }
0x1e: {  	s7 =	smul.u32 @!p0 $0xF7A, s2;
	p2 =	seq.s32 @!p0 s5, $0x0  }
0x1f: {  	s9 =	smul.u32 $0xF7A, s1;
	s8 =	simm.s32 @!p0 $0x1BF5;
	p2 =	por !p2, p0  }
0x20: {  	[sflag:s8] =	ssyncset.s32 @!p0 $0xFFFFF086;
	s6 =	sadd.s32 @!p0 s3, s7;
	s7 =	simm.s32 @!p0 $0x108  }
0x21: {  	s3 =	sadd.s32 s3, s9;
	s6 =	sadd.s32 @!p0 $0x88, s6;
	s7 =	simm.s32 @p2 $0x1082  }
0x22: {  	[simem:s7], [sflag:s8] =	dma.local @!p0 [hbm:s6], $0xF7A  }
0x23: {  	s9 =	sor.u32 $0xD0000000, s2;
	s6 =	simm.s32 $0x108;
	_ =	swait.ge @!p0 [sflag:s8], $0x0  }
0x24: {  	s3 =	sadd.s32 $0x88, s3;
	s6 =	simm.s32 @!p1 $0x1082;
	[sflag:s4] =	ssyncset.s32 $0xFFFFF086  }
0x25: {  	[simem:s6], [sflag:s4] =	dma.local [hbm:s3], $0xF7A  }
0x26: {  	[smem:$0x3F95] =	sst s1;
	(tag) =	ssettag s2;
	_ =	strace s9  }
0x27: {  	s1 =	sld [smem:$0x3FA5]  }
0x28: {  	s2 =	sld [smem:$0x3FA6]  }
0x29: {  	s4 =	sld [smem:$0x3FA8]  }
0x2a: {  	p0 =	seq.s32 s5, $0x0;
	s5 =	sld [smem:$0x3FA9]  }
0x2b: {  	s6 =	sld [smem:$0x3FAA]  }
0x2c: {  	s7 =	sld [smem:$0x3FAB]  }
0x2d: {  	s3 =	simm.s32 $0x108;
	s8 =	sld [smem:$0x3FAC]  }
0x2e: {  	s3 =	simm.s32 @!p0 $0x1082;
	s9 =	sld [smem:$0x3FAD]  }
0x2f: {  	lr =	sadd.s32 s0, s3;
	s0 =	sld [smem:$0x3FA4]  }
0x30: {  	s3 =	sld [smem:$0x3FA7]  }
0x31: {  	[smem:$0x3FB0] =	sst s10  }
0x32: {  	s10 =	sld [smem:$0x3FAE];
	_ =	sdelay $0x3  }
0x33: {  	p0 =	seq.s32 s10, $0x1;
	s10 =	sld [smem:$0x3FB0];
	_ =	sdelay $0x3  }
0x34: {  	[smem:$0x3FB0] =	sst s10  }
0x35: {  	s10 =	sld [smem:$0x3FAF];
	_ =	sdelay $0x3  }
0x36: {  	p1 =	seq.s32 s10, $0x1;
	s10 =	sld [smem:$0x3FB0];
	_ =	sdelay $0x3  }
0x37: {  	[smem:$0x3FB0] =	sst s10  }
0x38: {  	s10 =	sld [smem:$0x3FB1]  }
0x39: {  	_ = 	snop;
	(pc) =	sbr.ind lr, $3  }
0x3a: {  	_ = 	snop  }
0x3b: {  	_ = 	snop  }
0x3c: {  	p2 =	seq.s32 s10, $0x1;
	s10 =	sld [smem:$0x3FB0]  }
0x3d: {  	_ =	shalt  }
0x3e: {  	_ =	shalt  }
0x3f: {  	_ =	shalt  }
0x40: {  	_ =	shalt  }
0x41: {  	_ =	shalt  }
0x42: {  	_ =	shalt  }
0x43: {  	_ =	shalt  }
0x44: {  	_ =	shalt  }
0x45: {  	_ =	shalt  }
0x46: {  	_ =	shalt  }
0x47: {  	_ =	shalt  }
0x48: {  	_ =	shalt  }
0x49: {  	_ =	shalt  }
0x4a: {  	_ =	shalt  }
0x4b: {  	_ =	shalt  }
0x4c: {  	_ =	shalt  }
0x4d: {  	_ =	shalt  }
0x4e: {  	_ =	shalt  }
0x4f: {  	_ =	shalt  }
0x50: {  	_ =	shalt  }
0x51: {  	_ =	shalt  }
0x52: {  	_ =	shalt  }
0x53: {  	_ =	shalt  }
0x54: {  	_ =	shalt  }
0x55: {  	_ =	shalt  }
0x56: {  	_ =	shalt  }
0x57: {  	_ =	shalt  }
0x58: {  	_ =	shalt  }
0x59: {  	_ =	shalt  }
0x5a: {  	_ =	shalt  }
0x5b: {  	_ =	shalt  }
0x5c: {  	_ =	shalt  }
0x5d: {  	_ =	shalt  }
0x5e: {  	_ =	shalt  }
0x5f: {  	_ =	shalt  }
0x60: {  	_ =	shalt  }
0x61: {  	_ =	shalt  }
0x62: {  	_ =	shalt  }
0x63: {  	_ =	shalt  }
0x64: {  	_ =	shalt  }
0x65: {  	_ =	shalt  }
0x66: {  	_ =	shalt  }
0x67: {  	_ =	shalt  }
0x68: {  	_ =	shalt  }
0x69: {  	_ =	shalt  }
0x6a: {  	_ =	shalt  }
0x6b: {  	_ =	shalt  }
0x6c: {  	_ =	shalt  }
0x6d: {  	_ =	shalt  }
0x6e: {  	_ =	shalt  }
0x6f: {  	_ =	shalt  }
0x70: {  	_ =	shalt  }
0x71: {  	_ =	shalt  }
0x72: {  	_ =	shalt  }
0x73: {  	_ =	shalt  }
0x74: {  	_ =	shalt  }
0x75: {  	_ =	shalt  }
0x76: {  	_ =	shalt  }
0x77: {  	_ =	shalt  }
0x78: {  	_ =	shalt  }
0x79: {  	_ =	shalt  }
0x7a: {  	_ =	shalt  }
0x7b: {  	_ =	shalt  }
0x7c: {  	_ =	shalt  }
0x7d: {  	_ =	shalt  }
0x7e: {  	_ =	shalt  }
0x7f: {  	_ =	shalt  }
0x80: {  	_ =	shalt  }
0x81: {  	_ =	shalt  }
0x82: {  	_ =	shalt  }
0x83: {  	_ =	shalt  }
0x84: {  	_ =	shalt  }
0x85: {  	_ =	shalt  }
0x86: {  	_ =	shalt  }
0x87: {  	_ =	shalt  }
.Lfunc_end0:
.L_simem_size_0:
called_computation_lowered:
.L_overlay_start_0:
0x88: {  	s2 =	sld [smem:$0x3FD9]  }
0x89: {  	s3 =	sld [smem:$0x3FFE];
	_ =	sdelay $0x1  }
0x8a: {  	s1 =	srdreg.scid  }
0x8b: {  	s0 =	sand.u32 $0x1, s1  }
0x8c: {  	s16 =	sshll.u32 s0, $0xA;
	s2 =	sadd.s32 s3, s2  }
0x8d: {  	s2 =	sadd.s32 s2, s16  }
0x8e: {  	[smem:$0x3FBC] =	sst s2  }
0x8f: {  	_ = 	snop  }
0x90: {  	(tm) =	ssettm $0x1  }
0x91: {  	s17 =	sld [smem:$0x3FFB];
	_ =	sdelay $0x3  }
0x92: {  	_ =	strace s17  }
0x93: {  	s2 =	sld [smem:$0x3FFC];
	_ =	sdelay $0x3  }
0x94: {  	_ =	strace s2  }
0x95: {  	s2 =	sld [smem:$0x3FFD];
	_ =	sdelay $0x3  }
0x96: {  	_ =	strace s2  }
0x97: {  	_ =	strace $0x8FFFFFFF  }
0x98: {  	s18 =	sld [smem:$0x3FDB];
	_ =	sdelay $0x1  }
0x99: {  	s19 =	simm.s32 $_scs_section_size  }
0x9a: {  	s4 =	simm.s32 $_size__tile_overlayer_lowered;
	s5 =	simm.s32 $_tile_overlayer_lowered  }
0x9b: {  	s22 =	simm.s32 $0x1BFF;
	s21 =	sshll.u32 s5, $0x1;
	s2 =	sadd.s32 s19, s18  }
0x9c: {  	s6 =	simm.s32 $0x0;
	s20 =	sshll.u32 s4, $0x1;
	s4 =	sadd.s32 s21, s2  }
0x9d: {  	[timem:s6], [sflag:s22] =	dma.local [hbm:s4], s20  }
0x9e: {  	_ =	swait.ge [sflag:s22], s20  }
0x9f: {  	s3 =	ssub.s32 $0x0, s20;
	[sflag:s22] =	ssyncset.done $0x0  }
0xa0: {  	[sflag:s22] =	ssyncadd.s32 s3;
	_ =	sdelay $0x1  }
0xa1: {  	s23 =	simm.s32 $0x1B8B  }
0xa2: {  	_ =	swait.ge [sflag:s23], $0x1  }
0xa3: {  	[sflag:s23] =	ssyncset.done $0x0  }
0xa4: {  	s25 =	simm.s32 $0x1B8E;
	s24 =	sld [smem:$0x3FFE];
	[sflag:s23] =	ssyncadd.s32 $0xFFFFFFFF  }
0xa5: {  	s26 =	simm.s32 $execute0_lowered;
	[smem:$0x3FD2] =	sst s25  }
0xa6: {  	s4 =	sshll.u32 s26, $0x1;
	_ =	strace $0x80000046;
	[dreg:$0x1] =	wrdreg $0xFFFFFFFF  }
0xa7: {  	s28 =	simm.s32 $_size_execute0_lowered;
	s2 =	sadd.s32 s2, s4;
	[dreg:$0x0] =	wrdreg $0x0  }
0xa8: {  	s4 =	sshll.u32 s28, $0x1;
	[dreg:$0x2] =	wrdreg s2  }
0xa9: {  	[dreg:$0x3] =	wrdreg s4  }
0xaa: {  	[dreg:$0x4] =	wrdreg $0xC0  }
0xab: {  	_ =	task [dreg:s6], $0x5FFFF  }
0xac: {  	[dreg:$0x1] =	wrdreg $0xFFFFFFFF  }
0xad: {  	[dreg:$0x0] =	wrdreg $0x60  }
0xae: {  	[dreg:$0x2] =	wrdreg s24  }
0xaf: {  	[dreg:$0x3] =	wrdreg $0x9  }
0xb0: {  	_ =	task.clear_ibuf [dreg:s6], $0x4FFFF;
	_ =	strace $0x90000046  }
0xb1: {  	s29 =	simm.s32 $0x9;
	_ =	strace $0x80000048  }
0xb2: {  	_ =	swait.ge [sflag:s29], $0x1  }
0xb3: {  	[sflag:s29] =	ssyncadd.s32 $0xFFFFFFFF  }
0xb4: {  	_ =	strace $0x90000048  }
0xb5: {  	_ =	sfence  }
0xb6: {  	s30 =	sld [smem:$0x0];
	_ =	sdelay $0x2  }
0xb7: {  	s31 =	sshll.u32 s1, $0xD;
	s1 =	sshrl.u32 s1, $0x2  }
0xb8: {  	s3 =	sand.u32 $0x4000, s31;
	s1 =	sadd.s32 s1, s30  }
0xb9: {  	s0 =	sor.u32 s3, s0;
	s1 =	sshll.u32 s1, $0x11  }
0xba: {  	s0 =	sor.u32 s1, s0  }
0xbb: {  	s0 =	sadd.s32 $0x8F2B, s0  }
0xbc: {  	[sflag:s0] =	ssyncadd.remote.s32 $0x1  }
0xbd: {  	_ =	sfence.sel $0xFFFF  }
0xbe: {  	[dreg:$0x0] =	wrdreg $0xFFFFFFFF;
	(pc) =	sbr.abs _section_cstart, $3  }
0xbf: {  	[dreg:$0x1] =	wrdreg $0xFFFFFFFF  }
0xc0: {  	_ =	task.clear_ibuf [dreg:s6], $0x2FFFF;
	_ =	strace $0x9FFFFFFF  }
0xc1: {  	(tm) =	ssettm $0x7FFFFFFF  }
tec
execute0_lowered:
.L_overlay_start_1:
0x0: {  	(tag) =	ssettag $0x1  }
0x1: {  	s0 =	srdreg.scid;
	s6 =	stileid.u32  }
0x2: {  	s1 =	rddreg [dreg:$0x0];
	s2 =	simm.s32 $0x0;
	s16 =	simm.s32 $0x80  }
0x3: {  	s28 =	simm.s32 $0x3;
	s29 =	simm.s32 $0x6400;
	s30 =	simm.s32 $0x4  }
0x4: {  	s31 =	simm.s32 $0x6C00;
	s19 =	simm.s32 $0x7;
	s5 =	smul.u32 $0x68000, s6  }
0x5: {  	s0 =	sand.u32 $0x1, s0;
	s3 =	sshll.u32 s6, $0x1;
	s6 =	smul.u32 $0x6800, s6  }
0x6: {  	s15 =	simm.s32 $0xC;
	[smem:$0x7FF] =	sst s2;
	s8 =	smul.u32 $0x3400, s0  }
0x7: {  	s3 =	sor.u32 s0, s3;
	s7 =	ssub.s32 $0x2, s0;
	s0 =	smul.u32 $0x34000, s0  }
0x8: {  	_ =	strace $0x80000047;
	s4 =	smul.u32 $0x3400, s3;
	s9 =	sshrl.u32 s7, $0x1  }
0x9: {  	s3 =	sadd.s32 $0x27AE800, s1;
	s21 =	ssub.s32 s7, s9;
	s6 =	sadd.s32 s8, s6  }
0xa: {  	s0 =	sadd.s32 s0, s5;
	s4 =	sshrl.u32 s4, $0x3;
	s22 =	sshll.u32 s6, $0x1  }
0xb: {  	s23 =	sshrl.u32 s0, $0x3;
	s24 =	sor.u32 $0x3800, s0;
	s25 =	sor.u32 $0x3000, s0  }
0xc: {  	s26 =	sor.u32 $0x2800, s0;
	s0 =	sor.u32 $0x2000, s0;
	s6 =	simm.s32 $0x0  }
0xd: {  	s4 =	sadd.s32 s4, s1;
	s1 =	sadd.s32 $0xF400, s1;
	[dreg:$0x5] =	wrdreg s23  }
0xe: {  	s8 =	sor.u32 $0x300, s22;
	s9 =	sor.u32 $0x200, s22;
	s10 =	sor.u32 $0x100, s22  }
0xf: {  	s11 =	sshrl.u32 s24, $0x3;
	s12 =	sshrl.u32 s25, $0x3;
	s13 =	sshrl.u32 s26, $0x3  }
.Ltmp0:
0x10: {  	s14 =	sshrl.u32 s0, $0x3;
	s22 =	simm.s32 $0x4C00;
	(pc) =	sbr.rel .LBB2_1-.Ltmp0, $4  }
0x11: {  	s23 =	simm.s32 $0x1;
	s24 =	simm.s32 $0x5400;
	s25 =	simm.s32 $0x2  }
0x12: {  	s26 =	simm.s32 $0x5C00;
	[dreg:$0x2] =	wrdreg s1;
	s4 =	sadd.s32 $0x2400, s4  }
0x13: {  	s0 =	simm.s32 $0x6;
	s1 =	smax.u32 s21, $0x1;
	[dreg:$0x3] =	wrdreg s4  }
0x14: {  	s21 =	simm.s32 $0x8;
	[dreg:$0x4] =	wrdreg s1;
	s1 =	simm.s32 $0x5  }
.LBB2_4:
0x15: {  	s4 =	simm.s32 $0x9  }
0x16: {  	_ =	swait.ge [sflag:s4], $0x800  }
0x17: {  	[sflag:s4] =	ssyncset.done $0x0  }
0x18: {  	s5 =	simm.s32 $0xA;
	[sflag:s4] =	ssyncadd.s32 $0xFFFFF800  }
0x19: {  	_ =	swait.ge [sflag:s5], $0x800  }
0x1a: {  	[sflag:s5] =	ssyncset.done $0x0  }
0x1b: {  	s6 =	simm.s32 $0xB;
	[sflag:s5] =	ssyncadd.s32 $0xFFFFF800  }
0x1c: {  	_ =	swait.ge [sflag:s6], $0x800  }
0x1d: {  	[sflag:s6] =	ssyncset.done $0x0  }
0x1e: {  	[sflag:s6] =	ssyncadd.s32 $0xFFFFF800  }
0x1f: {  	_ =	swait.ge [sflag:s15], $0x800  }
0x20: {  	[sflag:s15] =	ssyncset.done $0x0  }
0x21: {  	s7 =	simm.s32 $0xD;
	[sflag:s15] =	ssyncadd.s32 $0xFFFFF800  }
0x22: {  	_ =	swait.ge [sflag:s7], $0x800  }
0x23: {  	[sflag:s7] =	ssyncset.done $0x0  }
0x24: {  	s17 =	simm.s32 $0xE;
	[sflag:s7] =	ssyncadd.s32 $0xFFFFF800  }
0x25: {  	_ =	swait.ge [sflag:s17], $0x800  }
0x26: {  	[sflag:s17] =	ssyncset.done $0x0  }
0x27: {  	s18 =	simm.s32 $0xF;
	[sflag:s17] =	ssyncadd.s32 $0xFFFFF800  }
0x28: {  	_ =	swait.ge [sflag:s18], $0x800  }
0x29: {  	[sflag:s18] =	ssyncset.done $0x0  }
0x2a: {  	s5 =	simm.s32 $0x10;
	[sflag:s18] =	ssyncadd.s32 $0xFFFFF800  }
0x2b: {  	_ =	swait.ge [sflag:s5], $0x800  }
0x2c: {  	s6 =	rddreg [dreg:$0x6]  }
0x2d: {  	s20 =	rddreg [dreg:$0x4];
	s6 =	sadd.s32 $0x1, s6  }
0x2e: {  	p0 =	sne.s32 s6, s20  }
.Ltmp1:
0x2f: {  	_ = 	snop;
	(pc) =	sbr.rel @!p0 .LBB2_5-.Ltmp1, $3  }
0x30: {  	_ =	sdelay $0x1  }
0x31: {  	[sflag:s5] =	ssyncset.done $0x0  }
0x32: {  	[sflag:s5] =	ssyncadd.s32 $0xFFFFF800  }
.LBB2_1:
0x33: {  	[dreg:$0x6] =	wrdreg s6  }
0x34: {  	s4 =	rddreg [dreg:$0x3];
	s6 =	simm.s32 $0x11  }
0x35: {  	[tilespmem:s2], [sflag:$0x11] =	stream.linear.gather [hbm4b:s4+s2], $0x3400, $0x38;
	[tilespmem:$0x7400] =	vst v63  }
0x36: {  	_ =	swait.ge [sflag:s6], $0x3400  }
0x37: {  	[sflag:s6] =	ssyncset.done $0x0  }
0x38: {  	s7 =	simm.s32 $0x3400;
	[sflag:s6] =	ssyncadd.s32 $0xFFFFCC00  }
0x39: {  	[tilespmem:s7], [sflag:$0x1] =	stream.indirect.gather [hbm4b:s3+s16], $0x10, s2, s16, $0xb8;
	[tilespmem:$0x7400] =	vst v63  }
0x3a: {  	s17 =	simm.s32 $0x3C00  }
0x3b: {  	[tilespmem:s17], [sflag:$0x2] =	stream.indirect.gather [hbm4b:s3+s16], $0x10, s16, s16, $0xb8;
	[tilespmem:$0x7400] =	vst v63  }
0x3c: {  	s18 =	simm.s32 $0x100;
	s5 =	simm.s32 $0x4400  }
0x3d: {  	[tilespmem:s5], [sflag:$0x3] =	stream.indirect.gather [hbm4b:s3+s16], $0x10, s18, s16, $0xb8;
	[tilespmem:$0x7400] =	vst v63  }
0x3e: {  	s20 =	simm.s32 $0x180;
	s4 =	simm.s32 $0x0;
	s6 =	rddreg [dreg:$0x2]  }
0x3f: {  	[tilespmem:s22], [sflag:$0x4] =	stream.indirect.gather [hbm4b:s3+s16], $0x10, s20, s16, $0xb8;
	[tilespmem:$0x7400] =	vst v63  }
.LBB2_2:
0x40: {  	_ =	swait.ge [sflag:s23], $0x800;
	s7 =	simm.s32 $0x3400  }
0x41: {  	p0 =	seq.s32 s4, $0x0;
	[sflag:s23] =	ssyncset.done $0x0;
	s5 =	rddreg [dreg:$0x5]  }
0x42: {  	s17 =	simm.s32 @!p0 $0xD;
	[sflag:s23] =	ssyncadd.s32 $0xFFFFF800;
	s5 =	sadd.s32 s6, s5  }
0x43: {  	[hbm4b:s5+s2] =	stream.linear.scatter [tilespmem:s7], [sflag:$0x9], $0x800, $0x38;
	[tilespmem:$0x7400] =	vst v63  }
0x44: {  	_ =	swait.ge @!p0 [sflag:s17], $0x800  }
0x45: {  	s5 =	sshra.s32 s4, $0x2;
	[sflag:s17] =	ssyncset.done @!p0 $0x0  }
0x46: {  	s7 =	sadd.s32 $0x200, s5;
	[sflag:s17] =	ssyncadd.s32 @!p0 $0xFFFFF800  }
0x47: {  	[tilespmem:s24], [sflag:$0x5] =	stream.indirect.gather [hbm4b:s3+s16], $0x10, s7, s16, $0xb8;
	[tilespmem:$0x7400] =	vst v63  }
0x48: {  	_ =	swait.ge [sflag:s25], $0x800  }
0x49: {  	s18 =	sadd.s32 s6, s10;
	[sflag:s25] =	ssyncset.done $0x0  }
0x4a: {  	s20 =	simm.s32 $0x3C00;
	s17 =	simm.s32 @!p0 $0xE;
	[sflag:s25] =	ssyncadd.s32 $0xFFFFF800  }
0x4b: {  	[hbm4b:s18+s2] =	stream.linear.scatter [tilespmem:s20], [sflag:$0xA], $0x800, $0x38;
	[tilespmem:$0x7400] =	vst v63  }
0x4c: {  	_ =	swait.ge @!p0 [sflag:s17], $0x800  }
0x4d: {  	[sflag:s17] =	ssyncset.done @!p0 $0x0  }
0x4e: {  	s7 =	sadd.s32 $0x280, s5;
	[sflag:s17] =	ssyncadd.s32 @!p0 $0xFFFFF800  }
0x4f: {  	[tilespmem:s26], [sflag:$0x6] =	stream.indirect.gather [hbm4b:s3+s16], $0x10, s7, s16, $0xb8;
	[tilespmem:$0x7400] =	vst v63  }
0x50: {  	_ =	swait.ge [sflag:s28], $0x800  }
0x51: {  	s18 =	sadd.s32 s6, s9;
	[sflag:s28] =	ssyncset.done $0x0  }
0x52: {  	s20 =	simm.s32 $0x4400;
	s17 =	simm.s32 @!p0 $0xF;
	[sflag:s28] =	ssyncadd.s32 $0xFFFFF800  }
0x53: {  	[hbm4b:s18+s2] =	stream.linear.scatter [tilespmem:s20], [sflag:$0xB], $0x800, $0x38;
	[tilespmem:$0x7400] =	vst v63  }
0x54: {  	_ =	swait.ge @!p0 [sflag:s17], $0x800  }
0x55: {  	[sflag:s17] =	ssyncset.done @!p0 $0x0  }
0x56: {  	s7 =	sadd.s32 $0x300, s5;
	[sflag:s17] =	ssyncadd.s32 @!p0 $0xFFFFF800  }
0x57: {  	[tilespmem:s29], [sflag:$0x7] =	stream.indirect.gather [hbm4b:s3+s16], $0x10, s7, s16, $0xb8;
	[tilespmem:$0x7400] =	vst v63  }
0x58: {  	_ =	swait.ge [sflag:s30], $0x800  }
0x59: {  	[sflag:s30] =	ssyncset.done $0x0  }
0x5a: {  	s18 =	sadd.s32 s6, s8;
	s17 =	simm.s32 @!p0 $0x10;
	[sflag:s30] =	ssyncadd.s32 $0xFFFFF800  }
0x5b: {  	[hbm4b:s18+s2] =	stream.linear.scatter [tilespmem:s22], [sflag:$0xC], $0x800, $0x38;
	[tilespmem:$0x7400] =	vst v63  }
0x5c: {  	_ =	swait.ge @!p0 [sflag:s17], $0x800  }
0x5d: {  	[sflag:s17] =	ssyncset.done @!p0 $0x0  }
0x5e: {  	s20 =	sadd.s32 $0x380, s5;
	[sflag:s17] =	ssyncadd.s32 @!p0 $0xFFFFF800  }
0x5f: {  	[tilespmem:s31], [sflag:$0x8] =	stream.indirect.gather [hbm4b:s3+s16], $0x10, s20, s16, $0xb8;
	[tilespmem:$0x7400] =	vst v63  }
0x60: {  	_ =	swait.ge [sflag:s1], $0x800  }
0x61: {  	p0 =	seq.s32 s4, $0xC000;
	[sflag:s1] =	ssyncset.done $0x0  }
0x62: {  	s7 =	sadd.s32 s6, s14;
	s17 =	simm.s32 @!p0 $0x9;
	[sflag:s1] =	ssyncadd.s32 $0xFFFFF800  }
0x63: {  	[hbm4b:s7+s2] =	stream.linear.scatter [tilespmem:s24], [sflag:$0xD], $0x800, $0x38;
	[tilespmem:$0x7400] =	vst v63  }
0x64: {  	_ =	swait.ge @!p0 [sflag:s17], $0x800  }
0x65: {  	[sflag:s17] =	ssyncset.done @!p0 $0x0  }
0x66: {  	[sflag:s17] =	ssyncadd.s32 @!p0 $0xFFFFF800;
	s17 =	sshra.s32 @!p0 s4, $0x2  }
0x67: {  	s20 =	simm.s32 @!p0 $0x80;
	s7 =	simm.s32 @!p0 $0x3400;
	s18 =	sadd.s32 @!p0 $0x400, s17  }
0x68: {  	[tilespmem:s7], [sflag:$0x1] =	stream.indirect.gather @!p0 [hbm4b:s3+s20], $0x10, s18, s20, $0xb8;
	[tilespmem:$0x7400] =	vst v63  }
0x69: {  	_ =	swait.ge [sflag:s0], $0x800  }
0x6a: {  	[sflag:s0] =	ssyncset.done $0x0  }
0x6b: {  	s18 =	sadd.s32 s6, s13;
	s7 =	simm.s32 @!p0 $0xA;
	[sflag:s0] =	ssyncadd.s32 $0xFFFFF800  }
0x6c: {  	[hbm4b:s18+s2] =	stream.linear.scatter [tilespmem:s26], [sflag:$0xE], $0x800, $0x38;
	[tilespmem:$0x7400] =	vst v63  }
0x6d: {  	_ =	swait.ge @!p0 [sflag:s7], $0x800  }
0x6e: {  	[sflag:s7] =	ssyncset.done @!p0 $0x0  }
0x6f: {  	s18 =	simm.s32 @!p0 $0x3C00;
	[sflag:s7] =	ssyncadd.s32 @!p0 $0xFFFFF800;
	s7 =	sadd.s32 @!p0 $0x480, s17  }
0x70: {  	[tilespmem:s18], [sflag:$0x2] =	stream.indirect.gather @!p0 [hbm4b:s3+s20], $0x10, s7, s20, $0xb8;
	[tilespmem:$0x7400] =	vst v63  }
0x71: {  	_ =	swait.ge [sflag:s19], $0x800  }
0x72: {  	[sflag:s19] =	ssyncset.done $0x0  }
0x73: {  	s18 =	sadd.s32 s6, s12;
	s7 =	simm.s32 @!p0 $0xB;
	[sflag:s19] =	ssyncadd.s32 $0xFFFFF800  }
0x74: {  	[hbm4b:s18+s2] =	stream.linear.scatter [tilespmem:s29], [sflag:$0xF], $0x800, $0x38;
	[tilespmem:$0x7400] =	vst v63  }
0x75: {  	_ =	swait.ge @!p0 [sflag:s7], $0x800  }
0x76: {  	[sflag:s7] =	ssyncset.done @!p0 $0x0  }
0x77: {  	[sflag:s7] =	ssyncadd.s32 @!p0 $0xFFFFF800;
	s7 =	sadd.s32 @!p0 $0x500, s17;
	s17 =	simm.s32 @!p0 $0x4400  }
0x78: {  	[tilespmem:s17], [sflag:$0x3] =	stream.indirect.gather @!p0 [hbm4b:s3+s20], $0x10, s7, s20, $0xb8;
	[tilespmem:$0x7400] =	vst v63  }
.Ltmp2:
0x79: {  	_ = 	snop;
	(pc) =	sbr.rel @p0 .LBB2_4-.Ltmp2, $4  }
0x7a: {  	_ =	swait.ge [sflag:s21], $0x800  }
0x7b: {  	[sflag:s21] =	ssyncset.done $0x0  }
0x7c: {  	s20 =	sadd.s32 s6, s11;
	[sflag:s21] =	ssyncadd.s32 $0xFFFFF800  }
0x7d: {  	[hbm4b:s20+s2] =	stream.linear.scatter [tilespmem:s31], [sflag:$0x10], $0x800, $0x38;
	[tilespmem:$0x7400] =	vst v63  }
.Ltmp3:
0x7e: {  	(pc) =	sbr.rel .LBB2_2-.Ltmp3, $4  }
0x7f: {  	_ =	swait.ge [sflag:s15], $0x800  }
0x80: {  	s5 =	sadd.s32 $0x580, s5;
	[sflag:s15] =	ssyncset.done $0x0  }
0x81: {  	s4 =	sadd.s32 $0x1000, s4;
	s6 =	sadd.s32 $0x800, s6;
	[sflag:s15] =	ssyncadd.s32 $0xFFFFF800  }
0x82: {  	[tilespmem:s22], [sflag:$0x4] =	stream.indirect.gather [hbm4b:s3+s16], $0x10, s5, s16, $0xb8;
	[tilespmem:$0x7400] =	vst v63  }
.LBB2_5:
0x83: {  	_ =	sfence.sel $0x180000  }
0x84: {  	[bflag:$0x0] =	sbarrier.arrive $0xFFFF  }
0x85: {  	_ =	strace $0x90000047  }
0x86: {  	s0 =	stileid.u32;
	[bflag:$0x2] =	sbarrier.arrive $0xFFFF  }
0x87: {  	p0 =	sne.s32 s0, $0x0;
	s0 =	rddreg [dreg:$0x1]  }
0x88: {  	s0 =	sadd.s32 @!p0 $0x100000, s0  }
0x89: {  	[sflag:s0] =	ssyncadd.tile.s32 @!p0 $0x1;
	_ =	shalt  }
.Lfunc_end2:
_tile_overlayer_lowered:
.L_overlay_start_2:
0x8a: {  	(tag) =	ssettag $0x2  }
0x8b: {  	s0 =	rddreg [dreg:$0x0];
	s2 =	stileid.u32  }
0x8c: {  	s1 =	rddreg [dreg:$0x1];
	p0 =	sne.s32 s2, $0x0  }
0x8d: {  	s3 =	rddreg [dreg:$0x2];
	[bflag:$0x3] =	sbarrier.arrive $0xFFFF;
	s2 =	simm.s32 @!p0 $0x1C11  }
0x8e: {  	[timem:s3], [sflag:s2] =	dma.local @!p0 [hbm:s0], s1  }
0x8f: {  	s0 =	simm.s32 @!p0 $0x11  }
0x90: {  	_ =	swait.ge @!p0 [sflag:s0], s1  }
0x91: {  	s1 =	ssub.s32 @!p0 $0x0, s1;
	[sflag:s0] =	ssyncset.done @!p0 $0x0  }
0x92: {  	[sflag:s0] =	ssyncadd.s32 @!p0 s1  }
0x93: {  	[bflag:$0x3] =	sbarrier.arrive $0xFFFF  }
0x94: {  	_ =	shalt  }

</sc_bundles>
